<compile_context>
chip_gen: v7x
topology: tpu7x:2x2x1
jax: 0.10.2.dev20260603
libtpu: 0.0.44.dev20260713+nightly
codegen_flags: <defaults>
</compile_context>

<pallas_src>
import functools

import jax
import jax.numpy as jnp
from jax import lax
from jax.experimental import pallas as pl
from jax.experimental.pallas import tpu as pltpu
from jax.experimental.pallas import tpu_sc as plsc

R, C = 8192, 512
CP = C // 2
NC, NS, L = 2, 16, 16
NW = NC * NS
RW = R // NW
RB = 8
NB = RW // RB
NPAIR = NB // 2
K = 1024
NHIST = 2 * K * L
KR = K // 128


def _maxabs_body(x_ref, o_ref):
    @pl.when(pl.program_id(0) == 0)
    def _():
        o_ref[...] = jnp.zeros_like(o_ref)

    o_ref[...] = jnp.maximum(o_ref[...], jnp.max(jnp.abs(x_ref[...])))


def _maxabs(x2d):
    return pl.pallas_call(
        _maxabs_body,
        grid=(8,),
        in_specs=[pl.BlockSpec((R // 8, C), lambda i: (i, 0))],
        out_specs=pl.BlockSpec((1, 128), lambda i: (0, 0)),
        out_shape=jax.ShapeDtypeStruct((1, 128), jnp.float32),
    )(x2d)


def _bin_body(x_ref, t_ref, a_ref, o_ref):
    amax = a_ref[0, 0]
    invd = jnp.float32(K) / (amax + 1.0)
    cvec = amax * invd
    xv = x_ref[...]
    tv = t_ref[...]
    pos = tv > 0
    a = xv * invd
    f = jnp.where(pos, cvec + a, cvec - a)
    f = jnp.minimum(f, jnp.float32(K - 1))
    g = f + jnp.where(pos, jnp.float32(K), jnp.float32(0.0))
    lane = jnp.bitwise_and(
        lax.broadcasted_iota(jnp.int32, (R // 8, C), 1), L - 1)
    s = (g.astype(jnp.int32) << 4) | lane
    o_ref[...] = s[:, :CP] | (s[:, CP:] << 16)


def _binning(x2d, t2d, amax):
    return pl.pallas_call(
        _bin_body,
        grid=(8,),
        in_specs=[
            pl.BlockSpec((R // 8, C), lambda i: (i, 0)),
            pl.BlockSpec((R // 8, C), lambda i: (i, 0)),
            pl.BlockSpec((1, 128), lambda i: (0, 0)),
        ],
        out_specs=pl.BlockSpec((R // 8, CP), lambda i: (i, 0)),
        out_shape=jax.ShapeDtypeStruct((R, CP), jnp.int32),
    )(x2d, t2d, amax)


def _sc_hist(idx2d):
    mesh = plsc.VectorSubcoreMesh(core_axis_name="c", subcore_axis_name="s")

    @functools.partial(
        pl.kernel,
        out_type=jax.ShapeDtypeStruct((NW, NHIST), jnp.float32),
        mesh=mesh,
        compiler_params=pltpu.CompilerParams(needs_layout_passes=False),
        scratch_types=[
            pltpu.VMEM((NHIST,), jnp.float32),
            pltpu.VMEM((RB, CP), jnp.int32),
            pltpu.VMEM((RB, CP), jnp.int32),
            pltpu.SemaphoreType.DMA,
            pltpu.SemaphoreType.DMA,
        ],
    )
    def run(idx_hbm, out_hbm, hist, ib0, ib1, s0, s1):
        wid = lax.axis_index("s") * NC + lax.axis_index("c")
        row0 = wid * RW
        lane = lax.iota(jnp.int32, L)
        ones = jnp.full((L,), 1.0, dtype=jnp.float32)
        full = lane >= 0
        zeros = jnp.zeros((L,), jnp.float32)

        @plsc.parallel_loop(0, NHIST, L, unroll=8)
        def _(i):
            hist[pl.ds(i, L)] = zeros

        pltpu.async_copy(idx_hbm.at[pl.ds(row0, RB)], ib0, s0)
        pltpu.async_copy(idx_hbm.at[pl.ds(row0 + RB, RB)], ib1, s1)

        lomask = jnp.full((L,), 0xFFFF, dtype=jnp.int32)

        def process(ib):
            for r in range(RB):
                @plsc.parallel_loop(0, CP, L, unroll=16)
                def _(u):
                    w = ib[r, pl.ds(u, L)]
                    plsc.addupdate_scatter(hist, [w & lomask], ones,
                                           mask=full)
                    plsc.addupdate_scatter(hist, [w >> 16], ones,
                                           mask=full)

        def pair(p, carry):
            jb = p * 2
            pltpu.make_async_copy(idx_hbm.at[pl.ds(row0, RB)], ib0,
                                  s0).wait()
            process(ib0)

            @pl.when(p < NPAIR - 1)
            def _():
                pltpu.async_copy(
                    idx_hbm.at[pl.ds(row0 + (jb + 2) * RB, RB)], ib0, s0)

            pltpu.make_async_copy(idx_hbm.at[pl.ds(row0, RB)], ib1,
                                  s1).wait()
            process(ib1)

            @pl.when(p < NPAIR - 1)
            def _():
                pltpu.async_copy(
                    idx_hbm.at[pl.ds(row0 + (jb + 3) * RB, RB)], ib1, s1)

            return carry

        lax.fori_loop(0, NPAIR, pair, 0)
        pltpu.sync_copy(hist, out_hbm.at[wid])

    return run(idx2d)


def _finalize_body(h_ref, a_ref, o_ref):
    dot = lambda u, v: lax.dot_general(
        u, v, (((1,), (0,)), ((), ())),
        precision=lax.Precision.HIGHEST,
        preferred_element_type=jnp.float32)

    hv = h_ref[...]
    hr = hv.reshape(NW, NHIST // 128, 128).sum(axis=0)
    l16 = (lax.broadcasted_iota(jnp.int32, (128, 8), 0) // L
           == lax.broadcasted_iota(jnp.int32, (128, 8), 1))
    s8 = dot(hr, l16.astype(jnp.float32))
    cn = s8[0:K // 8, :]
    cp = s8[K // 8:2 * (K // 8), :]
    tot = cn + cp

    r1 = lax.broadcasted_iota(jnp.int32, (8, 8), 0)
    c1 = lax.broadcasted_iota(jnp.int32, (8, 8), 1)
    upper = (r1 <= c1).astype(jnp.float32)
    r2 = lax.broadcasted_iota(jnp.int32, (K // 8, K // 8), 0)
    c2 = lax.broadcasted_iota(jnp.int32, (K // 8, K // 8), 1)
    strict = (c2 < r2).astype(jnp.float32)

    def cum(mat):
        return dot(mat, upper) + jnp.sum(dot(strict, mat), axis=1,
                                         keepdims=True)

    i_cum = cum(tot)
    cp_cum = cum(cp)
    gts = jnp.sum(cp)
    union = jnp.maximum(gts + i_cum - cp_cum, 1.0)
    nonempty = (i_cum > 0.0).astype(jnp.float32)
    jac = (1.0 - (gts - cp_cum) / union) * nonempty

    bb = (lax.broadcasted_iota(jnp.int32, (K // 8, 8), 0) * 8
          + lax.broadcasted_iota(jnp.int32, (K // 8, 8), 1)).astype(jnp.float32)
    e_hi = 1.0 + a_ref[0, 0]
    delta = e_hi / jnp.float32(K)
    rep = jnp.maximum(e_hi - (bb + 0.5) * delta, 0.0)
    rep_next = jnp.maximum(e_hi - (bb + 1.5) * delta, 0.0)
    o_ref[0, 0] = jnp.sum(jac * (rep - rep_next))


def _finalize(h2, amax):
    return pl.pallas_call(
        _finalize_body,
        out_specs=pl.BlockSpec(memory_space=pltpu.SMEM),
        out_shape=jax.ShapeDtypeStruct((1, 1), jnp.float32),
    )(h2, amax)


@jax.jit
def kernel(inputs, targets):
    x2 = inputs.reshape(R, C)
    t2 = targets.reshape(R, C).astype(jnp.int32)
    amax = _maxabs(x2)
    idx2 = _binning(x2, t2, amax)
    hist = _sc_hist(idx2)
    out = _finalize(hist.reshape(NW * (NHIST // 128), 128), amax)
    return out.reshape(())

# --- scband reference (transcript-rebuilt; emitter-appended) ---
"""Pipeline reference for scband-lovasz-hinge-loss-83184926589274 (READ-ONLY COPY).

The authoritative reference and input builder live on the scoring server;
editing this copy changes nothing except your own understanding.
"""

import jax, jax.numpy as jnp
import numpy as np


def setup_inputs(seed: int = 0) -> dict:
    key = jax.random.key(seed)
    k1, k2 = jax.random.split(key)
    inputs = jax.random.normal(k1, (16, 512, 512), dtype=jnp.float32)
    targets = jax.random.randint(k2, (16, 512, 512), 0, 2).astype(jnp.int64)
    return {"inputs": inputs, "targets": targets}


def _lovasz_grad(gt_sorted):
    # gt_sorted: float32 [P], sorted by descending error
    gts = jnp.sum(gt_sorted)
    intersection = gts - jnp.cumsum(gt_sorted)
    union = gts + jnp.cumsum(1.0 - gt_sorted)
    jaccard = 1.0 - intersection / union
    # jaccard[1:] = jaccard[1:] - jaccard[:-1]
    grad = jnp.concatenate([jaccard[:1], jaccard[1:] - jaccard[:-1]])
    return grad


def _lovasz_hinge_flat(logits, labels):
    # logits: float32 [P] (scores), labels: float32 [P] in {0,1}
    signs = 2.0 * labels - 1.0
    errors = 1.0 - logits * signs
    # sort errors in descending order
    perm = jnp.argsort(-errors)
    errors_sorted = jnp.take(errors, perm)
    gt_sorted = jnp.take(labels, perm)
    grad = _lovasz_grad(gt_sorted)
    loss = jnp.dot(jax.nn.relu(errors_sorted), jax.lax.stop_gradient(grad))
    return loss


def reference(inputs, targets):
    # use_sigmoid=False -> raw logits passed directly
    # per_image=False -> flatten everything into one Lovasz hinge problem
    logits = inputs.reshape(-1)
    labels = targets.reshape(-1).astype(jnp.float32)
    return _lovasz_hinge_flat(logits, labels)

if __name__ == "__main__":
    import jax
    _d = setup_inputs()
    print(jax.jit(kernel)(*tuple(_d.values())))

</pallas_src>

<mosaic_0001>
#map = affine_map<(d0, d1) -> (0, 0)>
module attributes {stable_mosaic.version = 14 : i64} {
  func.func @run(%arg0: i32, %arg1: i32, %arg2: memref<8192x256xi32, #tpu.memory_space<hbm>>, %arg3: memref<32x32768xf32, #tpu.memory_space<hbm>>, %arg4: memref<32768xf32, #tpu.memory_space<vmem>>, %arg5: memref<8x256xi32, #tpu.memory_space<vmem>>, %arg6: memref<8x256xi32, #tpu.memory_space<vmem>>, %arg7: memref<!tpu.dma_semaphore, #tpu.memory_space<semaphore_mem>>, %arg8: memref<!tpu.dma_semaphore, #tpu.memory_space<semaphore_mem>>) attributes {dimension_semantics = [#tpu.dimension_semantics<core_parallel>, #tpu.dimension_semantics<subcore_parallel>], iteration_bounds = array<i64: 2, 16>, scalar_prefetch = 0 : i64, scratch_operands = 5 : i64, tpu.core_type = #tpu.core_type<sc_vector_subcore>, window_params = [{transform_indices = #map}, {transform_indices = #map}]} {
    %mul3A = arith.constant 2 : i32
    %mul3A_0 = arith.muli %arg1, %mul3A : i32
    %add3A = arith.addi %mul3A_0, %arg0 : i32
    %mul3A_1 = arith.constant 256 : i32
    %mul3A_2 = arith.muli %add3A, %mul3A_1 : i32
    %iota3A = tpu.iota {dimensions = array<i32: 0>} : vector<16xi32>
    %broadcast_in_dim3A = arith.constant 1.000000e+00 : f32
    %broadcast_in_dim3A_3 = vector.broadcast %broadcast_in_dim3A : f32 to vector<16xf32>
    %ge3A = arith.constant 0 : i32
    %ge3A_4 = vector.broadcast %ge3A : i32 to vector<16xi32>
    %ge3A_5 = arith.cmpi sge, %iota3A, %ge3A_4 : vector<16xi32>
    %broadcast_in_dim3A_6 = arith.constant 0.000000e+00 : f32
    %broadcast_in_dim3A_7 = vector.broadcast %broadcast_in_dim3A_6 : f32 to vector<16xf32>
    %parallel_loop3A = arith.constant 0 : i32
    %parallel_loop3A_8 = arith.constant 32768 : i32
    %parallel_loop3A_9 = arith.constant 16 : i32
    scf.for %parallel_loop3A_26 = %parallel_loop3A to %parallel_loop3A_8 step %parallel_loop3A_9  : i32 {
      %parallel_loop3A_27 = arith.index_cast %parallel_loop3A_26 : i32 to index
      %parallel_loop3A_28 = tpu.vector_load %arg4[%parallel_loop3A_27] {strides = array<i32>} : memref<32768xf32, #tpu.memory_space<vmem>>, vector<16xf32>,
      tpu.vector_store %arg4[%parallel_loop3A_27], %broadcast_in_dim3A_7 {strides = array<i32>} : memref<32768xf32, #tpu.memory_space<vmem>>, vector<16xf32>,
    } {sc.loop_unroll_factor = 8 : i64, sc.parallel_access}
    %dma_start3A = arith.constant 0 : i32
    %dma_start3A_10 = tpu.memref_slice %arg2[%mul3A_2, %dma_start3A] : memref<8192x256xi32, #tpu.memory_space<hbm>> -> memref<8x256xi32, #tpu.memory_space<hbm>>
    %dma_start3A_11 = arith.constant 0 : i32
    %dma_start3A_12 = tpu.memref_slice %arg2[%mul3A_2, %dma_start3A_11] : memref<8192x256xi32, #tpu.memory_space<hbm>> -> memref<8x256xi32, #tpu.memory_space<hbm>>
    tpu.enqueue_dma source(%dma_start3A_12 : memref<8x256xi32, #tpu.memory_space<hbm>>) target(%arg5 : memref<8x256xi32, #tpu.memory_space<vmem>>) target_semaphore(%arg7 : memref<!tpu.dma_semaphore, #tpu.memory_space<semaphore_mem>>)
    %add3A_13 = arith.constant 8 : i32
    %add3A_14 = arith.addi %mul3A_2, %add3A_13 : i32
    %dma_start3A_15 = arith.constant 0 : i32
    %dma_start3A_16 = tpu.memref_slice %arg2[%add3A_14, %dma_start3A_15] : memref<8192x256xi32, #tpu.memory_space<hbm>> -> memref<8x256xi32, #tpu.memory_space<hbm>>
    %dma_start3A_17 = arith.constant 0 : i32
    %dma_start3A_18 = tpu.memref_slice %arg2[%add3A_14, %dma_start3A_17] : memref<8192x256xi32, #tpu.memory_space<hbm>> -> memref<8x256xi32, #tpu.memory_space<hbm>>
    tpu.enqueue_dma source(%dma_start3A_18 : memref<8x256xi32, #tpu.memory_space<hbm>>) target(%arg6 : memref<8x256xi32, #tpu.memory_space<vmem>>) target_semaphore(%arg8 : memref<!tpu.dma_semaphore, #tpu.memory_space<semaphore_mem>>)
    %broadcast_in_dim3A_19 = arith.constant 65535 : i32
    %broadcast_in_dim3A_20 = vector.broadcast %broadcast_in_dim3A_19 : i32 to vector<16xi32>
    %scan3A = arith.constant 0 : i32
    %scan3A_21 = arith.constant 0 : i32
    %scan3A_22 = arith.constant 16 : i32
    %scan3A_23 = arith.addi %scan3A_21, %scan3A_22 : i32
    %scan3A_24 = arith.constant 1 : i32
    scf.for %scan3A_26 = %scan3A_21 to %scan3A_23 step %scan3A_24  : i32 {
      %mul3A_27 = arith.constant 2 : i32
      %mul3A_28 = arith.muli %scan3A_26, %mul3A_27 : i32
      %dma_wait3A = arith.constant 0 : i32
      %dma_wait3A_29 = tpu.memref_slice %arg2[%mul3A_2, %dma_wait3A] : memref<8192x256xi32, #tpu.memory_space<hbm>> -> memref<8x256xi32, #tpu.memory_space<hbm>>
      %dma_wait3A_30 = arith.constant 0 : i32
      %dma_wait3A_31 = tpu.memref_slice %arg2[%mul3A_2, %dma_wait3A_30] : memref<8192x256xi32, #tpu.memory_space<hbm>> -> memref<8x256xi32, #tpu.memory_space<hbm>>
      tpu.wait_dma2 semaphore(%arg7 : memref<!tpu.dma_semaphore, #tpu.memory_space<semaphore_mem>>) src(%dma_wait3A_31 : memref<8x256xi32, #tpu.memory_space<hbm>>) dst(%arg5 : memref<8x256xi32, #tpu.memory_space<vmem>>)
      %parallel_loop3A_32 = arith.constant 0 : i32
      %parallel_loop3A_33 = arith.constant 256 : i32
      %parallel_loop3A_34 = arith.constant 16 : i32
      scf.for %parallel_loop3A_91 = %parallel_loop3A_32 to %parallel_loop3A_33 step %parallel_loop3A_34  : i32 {
        %parallel_loop3A_92 = arith.constant 0 : i32
        %parallel_loop3A_93 = arith.index_cast %parallel_loop3A_92 : i32 to index
        %parallel_loop3A_94 = arith.index_cast %parallel_loop3A_91 : i32 to index
        %parallel_loop3A_95 = tpu.vector_load %arg5[%parallel_loop3A_93, %parallel_loop3A_94] {strides = array<i32>} : memref<8x256xi32, #tpu.memory_space<vmem>>, vector<16xi32>,
        %parallel_loop3A_96 = arith.andi %parallel_loop3A_95, %broadcast_in_dim3A_20 : vector<16xi32>
        tpu.vector_store_idx %arg4[%parallel_loop3A_96], %broadcast_in_dim3A_3 masked %ge3A_5 {add = true} : memref<32768xf32, #tpu.memory_space<vmem>>[vector<16xi32>], vector<16xf32>, vector<16xi1>
        %parallel_loop3A_97 = arith.constant 16 : i32
        %parallel_loop3A_98 = vector.broadcast %parallel_loop3A_97 : i32 to vector<16xi32>
        %parallel_loop3A_99 = arith.shrsi %parallel_loop3A_95, %parallel_loop3A_98 : vector<16xi32>
        tpu.vector_store_idx %arg4[%parallel_loop3A_99], %broadcast_in_dim3A_3 masked %ge3A_5 {add = true} : memref<32768xf32, #tpu.memory_space<vmem>>[vector<16xi32>], vector<16xf32>, vector<16xi1>
      } {sc.loop_unroll_factor = 16 : i64, sc.parallel_access}
      %parallel_loop3A_35 = arith.constant 0 : i32
      %parallel_loop3A_36 = arith.constant 256 : i32
      %parallel_loop3A_37 = arith.constant 16 : i32
      scf.for %parallel_loop3A_91 = %parallel_loop3A_35 to %parallel_loop3A_36 step %parallel_loop3A_37  : i32 {
        %parallel_loop3A_92 = arith.constant 1 : i32
        %parallel_loop3A_93 = arith.index_cast %parallel_loop3A_92 : i32 to index
        %parallel_loop3A_94 = arith.index_cast %parallel_loop3A_91 : i32 to index
        %parallel_loop3A_95 = tpu.vector_load %arg5[%parallel_loop3A_93, %parallel_loop3A_94] {strides = array<i32>} : memref<8x256xi32, #tpu.memory_space<vmem>>, vector<16xi32>,
        %parallel_loop3A_96 = arith.andi %parallel_loop3A_95, %broadcast_in_dim3A_20 : vector<16xi32>
        tpu.vector_store_idx %arg4[%parallel_loop3A_96], %broadcast_in_dim3A_3 masked %ge3A_5 {add = true} : memref<32768xf32, #tpu.memory_space<vmem>>[vector<16xi32>], vector<16xf32>, vector<16xi1>
        %parallel_loop3A_97 = arith.constant 16 : i32
        %parallel_loop3A_98 = vector.broadcast %parallel_loop3A_97 : i32 to vector<16xi32>
        %parallel_loop3A_99 = arith.shrsi %parallel_loop3A_95, %parallel_loop3A_98 : vector<16xi32>
        tpu.vector_store_idx %arg4[%parallel_loop3A_99], %broadcast_in_dim3A_3 masked %ge3A_5 {add = true} : memref<32768xf32, #tpu.memory_space<vmem>>[vector<16xi32>], vector<16xf32>, vector<16xi1>
      } {sc.loop_unroll_factor = 16 : i64, sc.parallel_access}
      %parallel_loop3A_38 = arith.constant 0 : i32
      %parallel_loop3A_39 = arith.constant 256 : i32
      %parallel_loop3A_40 = arith.constant 16 : i32
      scf.for %parallel_loop3A_91 = %parallel_loop3A_38 to %parallel_loop3A_39 step %parallel_loop3A_40  : i32 {
        %parallel_loop3A_92 = arith.constant 2 : i32
        %parallel_loop3A_93 = arith.index_cast %parallel_loop3A_92 : i32 to index
        %parallel_loop3A_94 = arith.index_cast %parallel_loop3A_91 : i32 to index
        %parallel_loop3A_95 = tpu.vector_load %arg5[%parallel_loop3A_93, %parallel_loop3A_94] {strides = array<i32>} : memref<8x256xi32, #tpu.memory_space<vmem>>, vector<16xi32>,
        %parallel_loop3A_96 = arith.andi %parallel_loop3A_95, %broadcast_in_dim3A_20 : vector<16xi32>
        tpu.vector_store_idx %arg4[%parallel_loop3A_96], %broadcast_in_dim3A_3 masked %ge3A_5 {add = true} : memref<32768xf32, #tpu.memory_space<vmem>>[vector<16xi32>], vector<16xf32>, vector<16xi1>
        %parallel_loop3A_97 = arith.constant 16 : i32
        %parallel_loop3A_98 = vector.broadcast %parallel_loop3A_97 : i32 to vector<16xi32>
        %parallel_loop3A_99 = arith.shrsi %parallel_loop3A_95, %parallel_loop3A_98 : vector<16xi32>
        tpu.vector_store_idx %arg4[%parallel_loop3A_99], %broadcast_in_dim3A_3 masked %ge3A_5 {add = true} : memref<32768xf32, #tpu.memory_space<vmem>>[vector<16xi32>], vector<16xf32>, vector<16xi1>
      } {sc.loop_unroll_factor = 16 : i64, sc.parallel_access}
      %parallel_loop3A_41 = arith.constant 0 : i32
      %parallel_loop3A_42 = arith.constant 256 : i32
      %parallel_loop3A_43 = arith.constant 16 : i32
      scf.for %parallel_loop3A_91 = %parallel_loop3A_41 to %parallel_loop3A_42 step %parallel_loop3A_43  : i32 {
        %parallel_loop3A_92 = arith.constant 3 : i32
        %parallel_loop3A_93 = arith.index_cast %parallel_loop3A_92 : i32 to index
        %parallel_loop3A_94 = arith.index_cast %parallel_loop3A_91 : i32 to index
        %parallel_loop3A_95 = tpu.vector_load %arg5[%parallel_loop3A_93, %parallel_loop3A_94] {strides = array<i32>} : memref<8x256xi32, #tpu.memory_space<vmem>>, vector<16xi32>,
        %parallel_loop3A_96 = arith.andi %parallel_loop3A_95, %broadcast_in_dim3A_20 : vector<16xi32>
        tpu.vector_store_idx %arg4[%parallel_loop3A_96], %broadcast_in_dim3A_3 masked %ge3A_5 {add = true} : memref<32768xf32, #tpu.memory_space<vmem>>[vector<16xi32>], vector<16xf32>, vector<16xi1>
        %parallel_loop3A_97 = arith.constant 16 : i32
        %parallel_loop3A_98 = vector.broadcast %parallel_loop3A_97 : i32 to vector<16xi32>
        %parallel_loop3A_99 = arith.shrsi %parallel_loop3A_95, %parallel_loop3A_98 : vector<16xi32>
        tpu.vector_store_idx %arg4[%parallel_loop3A_99], %broadcast_in_dim3A_3 masked %ge3A_5 {add = true} : memref<32768xf32, #tpu.memory_space<vmem>>[vector<16xi32>], vector<16xf32>, vector<16xi1>
      } {sc.loop_unroll_factor = 16 : i64, sc.parallel_access}
      %parallel_loop3A_44 = arith.constant 0 : i32
      %parallel_loop3A_45 = arith.constant 256 : i32
      %parallel_loop3A_46 = arith.constant 16 : i32
      scf.for %parallel_loop3A_91 = %parallel_loop3A_44 to %parallel_loop3A_45 step %parallel_loop3A_46  : i32 {
        %parallel_loop3A_92 = arith.constant 4 : i32
        %parallel_loop3A_93 = arith.index_cast %parallel_loop3A_92 : i32 to index
        %parallel_loop3A_94 = arith.index_cast %parallel_loop3A_91 : i32 to index
        %parallel_loop3A_95 = tpu.vector_load %arg5[%parallel_loop3A_93, %parallel_loop3A_94] {strides = array<i32>} : memref<8x256xi32, #tpu.memory_space<vmem>>, vector<16xi32>,
        %parallel_loop3A_96 = arith.andi %parallel_loop3A_95, %broadcast_in_dim3A_20 : vector<16xi32>
        tpu.vector_store_idx %arg4[%parallel_loop3A_96], %broadcast_in_dim3A_3 masked %ge3A_5 {add = true} : memref<32768xf32, #tpu.memory_space<vmem>>[vector<16xi32>], vector<16xf32>, vector<16xi1>
        %parallel_loop3A_97 = arith.constant 16 : i32
        %parallel_loop3A_98 = vector.broadcast %parallel_loop3A_97 : i32 to vector<16xi32>
        %parallel_loop3A_99 = arith.shrsi %parallel_loop3A_95, %parallel_loop3A_98 : vector<16xi32>
        tpu.vector_store_idx %arg4[%parallel_loop3A_99], %broadcast_in_dim3A_3 masked %ge3A_5 {add = true} : memref<32768xf32, #tpu.memory_space<vmem>>[vector<16xi32>], vector<16xf32>, vector<16xi1>
      } {sc.loop_unroll_factor = 16 : i64, sc.parallel_access}
      %parallel_loop3A_47 = arith.constant 0 : i32
      %parallel_loop3A_48 = arith.constant 256 : i32
      %parallel_loop3A_49 = arith.constant 16 : i32
      scf.for %parallel_loop3A_91 = %parallel_loop3A_47 to %parallel_loop3A_48 step %parallel_loop3A_49  : i32 {
        %parallel_loop3A_92 = arith.constant 5 : i32
        %parallel_loop3A_93 = arith.index_cast %parallel_loop3A_92 : i32 to index
        %parallel_loop3A_94 = arith.index_cast %parallel_loop3A_91 : i32 to index
        %parallel_loop3A_95 = tpu.vector_load %arg5[%parallel_loop3A_93, %parallel_loop3A_94] {strides = array<i32>} : memref<8x256xi32, #tpu.memory_space<vmem>>, vector<16xi32>,
        %parallel_loop3A_96 = arith.andi %parallel_loop3A_95, %broadcast_in_dim3A_20 : vector<16xi32>
        tpu.vector_store_idx %arg4[%parallel_loop3A_96], %broadcast_in_dim3A_3 masked %ge3A_5 {add = true} : memref<32768xf32, #tpu.memory_space<vmem>>[vector<16xi32>], vector<16xf32>, vector<16xi1>
        %parallel_loop3A_97 = arith.constant 16 : i32
        %parallel_loop3A_98 = vector.broadcast %parallel_loop3A_97 : i32 to vector<16xi32>
        %parallel_loop3A_99 = arith.shrsi %parallel_loop3A_95, %parallel_loop3A_98 : vector<16xi32>
        tpu.vector_store_idx %arg4[%parallel_loop3A_99], %broadcast_in_dim3A_3 masked %ge3A_5 {add = true} : memref<32768xf32, #tpu.memory_space<vmem>>[vector<16xi32>], vector<16xf32>, vector<16xi1>
      } {sc.loop_unroll_factor = 16 : i64, sc.parallel_access}
      %parallel_loop3A_50 = arith.constant 0 : i32
      %parallel_loop3A_51 = arith.constant 256 : i32
      %parallel_loop3A_52 = arith.constant 16 : i32
      scf.for %parallel_loop3A_91 = %parallel_loop3A_50 to %parallel_loop3A_51 step %parallel_loop3A_52  : i32 {
        %parallel_loop3A_92 = arith.constant 6 : i32
        %parallel_loop3A_93 = arith.index_cast %parallel_loop3A_92 : i32 to index
        %parallel_loop3A_94 = arith.index_cast %parallel_loop3A_91 : i32 to index
        %parallel_loop3A_95 = tpu.vector_load %arg5[%parallel_loop3A_93, %parallel_loop3A_94] {strides = array<i32>} : memref<8x256xi32, #tpu.memory_space<vmem>>, vector<16xi32>,
        %parallel_loop3A_96 = arith.andi %parallel_loop3A_95, %broadcast_in_dim3A_20 : vector<16xi32>
        tpu.vector_store_idx %arg4[%parallel_loop3A_96], %broadcast_in_dim3A_3 masked %ge3A_5 {add = true} : memref<32768xf32, #tpu.memory_space<vmem>>[vector<16xi32>], vector<16xf32>, vector<16xi1>
        %parallel_loop3A_97 = arith.constant 16 : i32
        %parallel_loop3A_98 = vector.broadcast %parallel_loop3A_97 : i32 to vector<16xi32>
        %parallel_loop3A_99 = arith.shrsi %parallel_loop3A_95, %parallel_loop3A_98 : vector<16xi32>
        tpu.vector_store_idx %arg4[%parallel_loop3A_99], %broadcast_in_dim3A_3 masked %ge3A_5 {add = true} : memref<32768xf32, #tpu.memory_space<vmem>>[vector<16xi32>], vector<16xf32>, vector<16xi1>
      } {sc.loop_unroll_factor = 16 : i64, sc.parallel_access}
      %parallel_loop3A_53 = arith.constant 0 : i32
      %parallel_loop3A_54 = arith.constant 256 : i32
      %parallel_loop3A_55 = arith.constant 16 : i32
      scf.for %parallel_loop3A_91 = %parallel_loop3A_53 to %parallel_loop3A_54 step %parallel_loop3A_55  : i32 {
        %parallel_loop3A_92 = arith.constant 7 : i32
        %parallel_loop3A_93 = arith.index_cast %parallel_loop3A_92 : i32 to index
        %parallel_loop3A_94 = arith.index_cast %parallel_loop3A_91 : i32 to index
        %parallel_loop3A_95 = tpu.vector_load %arg5[%parallel_loop3A_93, %parallel_loop3A_94] {strides = array<i32>} : memref<8x256xi32, #tpu.memory_space<vmem>>, vector<16xi32>,
        %parallel_loop3A_96 = arith.andi %parallel_loop3A_95, %broadcast_in_dim3A_20 : vector<16xi32>
        tpu.vector_store_idx %arg4[%parallel_loop3A_96], %broadcast_in_dim3A_3 masked %ge3A_5 {add = true} : memref<32768xf32, #tpu.memory_space<vmem>>[vector<16xi32>], vector<16xf32>, vector<16xi1>
        %parallel_loop3A_97 = arith.constant 16 : i32
        %parallel_loop3A_98 = vector.broadcast %parallel_loop3A_97 : i32 to vector<16xi32>
        %parallel_loop3A_99 = arith.shrsi %parallel_loop3A_95, %parallel_loop3A_98 : vector<16xi32>
        tpu.vector_store_idx %arg4[%parallel_loop3A_99], %broadcast_in_dim3A_3 masked %ge3A_5 {add = true} : memref<32768xf32, #tpu.memory_space<vmem>>[vector<16xi32>], vector<16xf32>, vector<16xi1>
      } {sc.loop_unroll_factor = 16 : i64, sc.parallel_access}
      %lt3A = arith.constant 15 : i32
      %lt3A_56 = arith.cmpi slt, %scan3A_26, %lt3A : i32
      %convert_element_type3A = arith.extui %lt3A_56 : i1 to i32
      %cond3A = arith.constant 0 : i32
      %cond3A_57 = arith.cmpi ne, %convert_element_type3A, %cond3A : i32
      scf.if %cond3A_57 {
        %add3A_91 = arith.constant 2 : i32
        %add3A_92 = arith.addi %mul3A_28, %add3A_91 : i32
        %mul3A_93 = arith.constant 8 : i32
        %mul3A_94 = arith.muli %add3A_92, %mul3A_93 : i32
        %add3A_95 = arith.addi %mul3A_2, %mul3A_94 : i32
        %dma_start3A_96 = arith.constant 0 : i32
        %dma_start3A_97 = tpu.memref_slice %arg2[%add3A_95, %dma_start3A_96] : memref<8192x256xi32, #tpu.memory_space<hbm>> -> memref<8x256xi32, #tpu.memory_space<hbm>>
        %dma_start3A_98 = arith.constant 0 : i32
        %dma_start3A_99 = tpu.memref_slice %arg2[%add3A_95, %dma_start3A_98] : memref<8192x256xi32, #tpu.memory_space<hbm>> -> memref<8x256xi32, #tpu.memory_space<hbm>>
        tpu.enqueue_dma source(%dma_start3A_99 : memref<8x256xi32, #tpu.memory_space<hbm>>) target(%arg5 : memref<8x256xi32, #tpu.memory_space<vmem>>) target_semaphore(%arg7 : memref<!tpu.dma_semaphore, #tpu.memory_space<semaphore_mem>>)
      } else {
      }
      %dma_wait3A_58 = arith.constant 0 : i32
      %dma_wait3A_59 = tpu.memref_slice %arg2[%mul3A_2, %dma_wait3A_58] : memref<8192x256xi32, #tpu.memory_space<hbm>> -> memref<8x256xi32, #tpu.memory_space<hbm>>
      %dma_wait3A_60 = arith.constant 0 : i32
      %dma_wait3A_61 = tpu.memref_slice %arg2[%mul3A_2, %dma_wait3A_60] : memref<8192x256xi32, #tpu.memory_space<hbm>> -> memref<8x256xi32, #tpu.memory_space<hbm>>
      tpu.wait_dma2 semaphore(%arg8 : memref<!tpu.dma_semaphore, #tpu.memory_space<semaphore_mem>>) src(%dma_wait3A_61 : memref<8x256xi32, #tpu.memory_space<hbm>>) dst(%arg6 : memref<8x256xi32, #tpu.memory_space<vmem>>)
      %parallel_loop3A_62 = arith.constant 0 : i32
      %parallel_loop3A_63 = arith.constant 256 : i32
      %parallel_loop3A_64 = arith.constant 16 : i32
      scf.for %parallel_loop3A_91 = %parallel_loop3A_62 to %parallel_loop3A_63 step %parallel_loop3A_64  : i32 {
        %parallel_loop3A_92 = arith.constant 0 : i32
        %parallel_loop3A_93 = arith.index_cast %parallel_loop3A_92 : i32 to index
        %parallel_loop3A_94 = arith.index_cast %parallel_loop3A_91 : i32 to index
        %parallel_loop3A_95 = tpu.vector_load %arg6[%parallel_loop3A_93, %parallel_loop3A_94] {strides = array<i32>} : memref<8x256xi32, #tpu.memory_space<vmem>>, vector<16xi32>,
        %parallel_loop3A_96 = arith.andi %parallel_loop3A_95, %broadcast_in_dim3A_20 : vector<16xi32>
        tpu.vector_store_idx %arg4[%parallel_loop3A_96], %broadcast_in_dim3A_3 masked %ge3A_5 {add = true} : memref<32768xf32, #tpu.memory_space<vmem>>[vector<16xi32>], vector<16xf32>, vector<16xi1>
        %parallel_loop3A_97 = arith.constant 16 : i32
        %parallel_loop3A_98 = vector.broadcast %parallel_loop3A_97 : i32 to vector<16xi32>
        %parallel_loop3A_99 = arith.shrsi %parallel_loop3A_95, %parallel_loop3A_98 : vector<16xi32>
        tpu.vector_store_idx %arg4[%parallel_loop3A_99], %broadcast_in_dim3A_3 masked %ge3A_5 {add = true} : memref<32768xf32, #tpu.memory_space<vmem>>[vector<16xi32>], vector<16xf32>, vector<16xi1>
      } {sc.loop_unroll_factor = 16 : i64, sc.parallel_access}
      %parallel_loop3A_65 = arith.constant 0 : i32
      %parallel_loop3A_66 = arith.constant 256 : i32
      %parallel_loop3A_67 = arith.constant 16 : i32
      scf.for %parallel_loop3A_91 = %parallel_loop3A_65 to %parallel_loop3A_66 step %parallel_loop3A_67  : i32 {
        %parallel_loop3A_92 = arith.constant 1 : i32
        %parallel_loop3A_93 = arith.index_cast %parallel_loop3A_92 : i32 to index
        %parallel_loop3A_94 = arith.index_cast %parallel_loop3A_91 : i32 to index
        %parallel_loop3A_95 = tpu.vector_load %arg6[%parallel_loop3A_93, %parallel_loop3A_94] {strides = array<i32>} : memref<8x256xi32, #tpu.memory_space<vmem>>, vector<16xi32>,
        %parallel_loop3A_96 = arith.andi %parallel_loop3A_95, %broadcast_in_dim3A_20 : vector<16xi32>
        tpu.vector_store_idx %arg4[%parallel_loop3A_96], %broadcast_in_dim3A_3 masked %ge3A_5 {add = true} : memref<32768xf32, #tpu.memory_space<vmem>>[vector<16xi32>], vector<16xf32>, vector<16xi1>
        %parallel_loop3A_97 = arith.constant 16 : i32
        %parallel_loop3A_98 = vector.broadcast %parallel_loop3A_97 : i32 to vector<16xi32>
        %parallel_loop3A_99 = arith.shrsi %parallel_loop3A_95, %parallel_loop3A_98 : vector<16xi32>
        tpu.vector_store_idx %arg4[%parallel_loop3A_99], %broadcast_in_dim3A_3 masked %ge3A_5 {add = true} : memref<32768xf32, #tpu.memory_space<vmem>>[vector<16xi32>], vector<16xf32>, vector<16xi1>
      } {sc.loop_unroll_factor = 16 : i64, sc.parallel_access}
      %parallel_loop3A_68 = arith.constant 0 : i32
      %parallel_loop3A_69 = arith.constant 256 : i32
      %parallel_loop3A_70 = arith.constant 16 : i32
      scf.for %parallel_loop3A_91 = %parallel_loop3A_68 to %parallel_loop3A_69 step %parallel_loop3A_70  : i32 {
        %parallel_loop3A_92 = arith.constant 2 : i32
        %parallel_loop3A_93 = arith.index_cast %parallel_loop3A_92 : i32 to index
        %parallel_loop3A_94 = arith.index_cast %parallel_loop3A_91 : i32 to index
        %parallel_loop3A_95 = tpu.vector_load %arg6[%parallel_loop3A_93, %parallel_loop3A_94] {strides = array<i32>} : memref<8x256xi32, #tpu.memory_space<vmem>>, vector<16xi32>,
        %parallel_loop3A_96 = arith.andi %parallel_loop3A_95, %broadcast_in_dim3A_20 : vector<16xi32>
        tpu.vector_store_idx %arg4[%parallel_loop3A_96], %broadcast_in_dim3A_3 masked %ge3A_5 {add = true} : memref<32768xf32, #tpu.memory_space<vmem>>[vector<16xi32>], vector<16xf32>, vector<16xi1>
        %parallel_loop3A_97 = arith.constant 16 : i32
        %parallel_loop3A_98 = vector.broadcast %parallel_loop3A_97 : i32 to vector<16xi32>
        %parallel_loop3A_99 = arith.shrsi %parallel_loop3A_95, %parallel_loop3A_98 : vector<16xi32>
        tpu.vector_store_idx %arg4[%parallel_loop3A_99], %broadcast_in_dim3A_3 masked %ge3A_5 {add = true} : memref<32768xf32, #tpu.memory_space<vmem>>[vector<16xi32>], vector<16xf32>, vector<16xi1>
      } {sc.loop_unroll_factor = 16 : i64, sc.parallel_access}
      %parallel_loop3A_71 = arith.constant 0 : i32
      %parallel_loop3A_72 = arith.constant 256 : i32
      %parallel_loop3A_73 = arith.constant 16 : i32
      scf.for %parallel_loop3A_91 = %parallel_loop3A_71 to %parallel_loop3A_72 step %parallel_loop3A_73  : i32 {
        %parallel_loop3A_92 = arith.constant 3 : i32
        %parallel_loop3A_93 = arith.index_cast %parallel_loop3A_92 : i32 to index
        %parallel_loop3A_94 = arith.index_cast %parallel_loop3A_91 : i32 to index
        %parallel_loop3A_95 = tpu.vector_load %arg6[%parallel_loop3A_93, %parallel_loop3A_94] {strides = array<i32>} : memref<8x256xi32, #tpu.memory_space<vmem>>, vector<16xi32>,
        %parallel_loop3A_96 = arith.andi %parallel_loop3A_95, %broadcast_in_dim3A_20 : vector<16xi32>
        tpu.vector_store_idx %arg4[%parallel_loop3A_96], %broadcast_in_dim3A_3 masked %ge3A_5 {add = true} : memref<32768xf32, #tpu.memory_space<vmem>>[vector<16xi32>], vector<16xf32>, vector<16xi1>
        %parallel_loop3A_97 = arith.constant 16 : i32
        %parallel_loop3A_98 = vector.broadcast %parallel_loop3A_97 : i32 to vector<16xi32>
        %parallel_loop3A_99 = arith.shrsi %parallel_loop3A_95, %parallel_loop3A_98 : vector<16xi32>
        tpu.vector_store_idx %arg4[%parallel_loop3A_99], %broadcast_in_dim3A_3 masked %ge3A_5 {add = true} : memref<32768xf32, #tpu.memory_space<vmem>>[vector<16xi32>], vector<16xf32>, vector<16xi1>
      } {sc.loop_unroll_factor = 16 : i64, sc.parallel_access}
      %parallel_loop3A_74 = arith.constant 0 : i32
      %parallel_loop3A_75 = arith.constant 256 : i32
      %parallel_loop3A_76 = arith.constant 16 : i32
      scf.for %parallel_loop3A_91 = %parallel_loop3A_74 to %parallel_loop3A_75 step %parallel_loop3A_76  : i32 {
        %parallel_loop3A_92 = arith.constant 4 : i32
        %parallel_loop3A_93 = arith.index_cast %parallel_loop3A_92 : i32 to index
        %parallel_loop3A_94 = arith.index_cast %parallel_loop3A_91 : i32 to index
        %parallel_loop3A_95 = tpu.vector_load %arg6[%parallel_loop3A_93, %parallel_loop3A_94] {strides = array<i32>} : memref<8x256xi32, #tpu.memory_space<vmem>>, vector<16xi32>,
        %parallel_loop3A_96 = arith.andi %parallel_loop3A_95, %broadcast_in_dim3A_20 : vector<16xi32>
        tpu.vector_store_idx %arg4[%parallel_loop3A_96], %broadcast_in_dim3A_3 masked %ge3A_5 {add = true} : memref<32768xf32, #tpu.memory_space<vmem>>[vector<16xi32>], vector<16xf32>, vector<16xi1>
        %parallel_loop3A_97 = arith.constant 16 : i32
        %parallel_loop3A_98 = vector.broadcast %parallel_loop3A_97 : i32 to vector<16xi32>
        %parallel_loop3A_99 = arith.shrsi %parallel_loop3A_95, %parallel_loop3A_98 : vector<16xi32>
        tpu.vector_store_idx %arg4[%parallel_loop3A_99], %broadcast_in_dim3A_3 masked %ge3A_5 {add = true} : memref<32768xf32, #tpu.memory_space<vmem>>[vector<16xi32>], vector<16xf32>, vector<16xi1>
      } {sc.loop_unroll_factor = 16 : i64, sc.parallel_access}
      %parallel_loop3A_77 = arith.constant 0 : i32
      %parallel_loop3A_78 = arith.constant 256 : i32
      %parallel_loop3A_79 = arith.constant 16 : i32
      scf.for %parallel_loop3A_91 = %parallel_loop3A_77 to %parallel_loop3A_78 step %parallel_loop3A_79  : i32 {
        %parallel_loop3A_92 = arith.constant 5 : i32
        %parallel_loop3A_93 = arith.index_cast %parallel_loop3A_92 : i32 to index
        %parallel_loop3A_94 = arith.index_cast %parallel_loop3A_91 : i32 to index
        %parallel_loop3A_95 = tpu.vector_load %arg6[%parallel_loop3A_93, %parallel_loop3A_94] {strides = array<i32>} : memref<8x256xi32, #tpu.memory_space<vmem>>, vector<16xi32>,
        %parallel_loop3A_96 = arith.andi %parallel_loop3A_95, %broadcast_in_dim3A_20 : vector<16xi32>
        tpu.vector_store_idx %arg4[%parallel_loop3A_96], %broadcast_in_dim3A_3 masked %ge3A_5 {add = true} : memref<32768xf32, #tpu.memory_space<vmem>>[vector<16xi32>], vector<16xf32>, vector<16xi1>
        %parallel_loop3A_97 = arith.constant 16 : i32
        %parallel_loop3A_98 = vector.broadcast %parallel_loop3A_97 : i32 to vector<16xi32>
        %parallel_loop3A_99 = arith.shrsi %parallel_loop3A_95, %parallel_loop3A_98 : vector<16xi32>
        tpu.vector_store_idx %arg4[%parallel_loop3A_99], %broadcast_in_dim3A_3 masked %ge3A_5 {add = true} : memref<32768xf32, #tpu.memory_space<vmem>>[vector<16xi32>], vector<16xf32>, vector<16xi1>
      } {sc.loop_unroll_factor = 16 : i64, sc.parallel_access}
      %parallel_loop3A_80 = arith.constant 0 : i32
      %parallel_loop3A_81 = arith.constant 256 : i32
      %parallel_loop3A_82 = arith.constant 16 : i32
      scf.for %parallel_loop3A_91 = %parallel_loop3A_80 to %parallel_loop3A_81 step %parallel_loop3A_82  : i32 {
        %parallel_loop3A_92 = arith.constant 6 : i32
        %parallel_loop3A_93 = arith.index_cast %parallel_loop3A_92 : i32 to index
        %parallel_loop3A_94 = arith.index_cast %parallel_loop3A_91 : i32 to index
        %parallel_loop3A_95 = tpu.vector_load %arg6[%parallel_loop3A_93, %parallel_loop3A_94] {strides = array<i32>} : memref<8x256xi32, #tpu.memory_space<vmem>>, vector<16xi32>,
        %parallel_loop3A_96 = arith.andi %parallel_loop3A_95, %broadcast_in_dim3A_20 : vector<16xi32>
        tpu.vector_store_idx %arg4[%parallel_loop3A_96], %broadcast_in_dim3A_3 masked %ge3A_5 {add = true} : memref<32768xf32, #tpu.memory_space<vmem>>[vector<16xi32>], vector<16xf32>, vector<16xi1>
        %parallel_loop3A_97 = arith.constant 16 : i32
        %parallel_loop3A_98 = vector.broadcast %parallel_loop3A_97 : i32 to vector<16xi32>
        %parallel_loop3A_99 = arith.shrsi %parallel_loop3A_95, %parallel_loop3A_98 : vector<16xi32>
        tpu.vector_store_idx %arg4[%parallel_loop3A_99], %broadcast_in_dim3A_3 masked %ge3A_5 {add = true} : memref<32768xf32, #tpu.memory_space<vmem>>[vector<16xi32>], vector<16xf32>, vector<16xi1>
      } {sc.loop_unroll_factor = 16 : i64, sc.parallel_access}
      %parallel_loop3A_83 = arith.constant 0 : i32
      %parallel_loop3A_84 = arith.constant 256 : i32
      %parallel_loop3A_85 = arith.constant 16 : i32
      scf.for %parallel_loop3A_91 = %parallel_loop3A_83 to %parallel_loop3A_84 step %parallel_loop3A_85  : i32 {
        %parallel_loop3A_92 = arith.constant 7 : i32
        %parallel_loop3A_93 = arith.index_cast %parallel_loop3A_92 : i32 to index
        %parallel_loop3A_94 = arith.index_cast %parallel_loop3A_91 : i32 to index
        %parallel_loop3A_95 = tpu.vector_load %arg6[%parallel_loop3A_93, %parallel_loop3A_94] {strides = array<i32>} : memref<8x256xi32, #tpu.memory_space<vmem>>, vector<16xi32>,
        %parallel_loop3A_96 = arith.andi %parallel_loop3A_95, %broadcast_in_dim3A_20 : vector<16xi32>
        tpu.vector_store_idx %arg4[%parallel_loop3A_96], %broadcast_in_dim3A_3 masked %ge3A_5 {add = true} : memref<32768xf32, #tpu.memory_space<vmem>>[vector<16xi32>], vector<16xf32>, vector<16xi1>
        %parallel_loop3A_97 = arith.constant 16 : i32
        %parallel_loop3A_98 = vector.broadcast %parallel_loop3A_97 : i32 to vector<16xi32>
        %parallel_loop3A_99 = arith.shrsi %parallel_loop3A_95, %parallel_loop3A_98 : vector<16xi32>
        tpu.vector_store_idx %arg4[%parallel_loop3A_99], %broadcast_in_dim3A_3 masked %ge3A_5 {add = true} : memref<32768xf32, #tpu.memory_space<vmem>>[vector<16xi32>], vector<16xf32>, vector<16xi1>
      } {sc.loop_unroll_factor = 16 : i64, sc.parallel_access}
      %lt3A_86 = arith.constant 15 : i32
      %lt3A_87 = arith.cmpi slt, %scan3A_26, %lt3A_86 : i32
      %convert_element_type3A_88 = arith.extui %lt3A_87 : i1 to i32
      %cond3A_89 = arith.constant 0 : i32
      %cond3A_90 = arith.cmpi ne, %convert_element_type3A_88, %cond3A_89 : i32
      scf.if %cond3A_90 {
        %add3A_91 = arith.constant 3 : i32
        %add3A_92 = arith.addi %mul3A_28, %add3A_91 : i32
        %mul3A_93 = arith.constant 8 : i32
        %mul3A_94 = arith.muli %add3A_92, %mul3A_93 : i32
        %add3A_95 = arith.addi %mul3A_2, %mul3A_94 : i32
        %dma_start3A_96 = arith.constant 0 : i32
        %dma_start3A_97 = tpu.memref_slice %arg2[%add3A_95, %dma_start3A_96] : memref<8192x256xi32, #tpu.memory_space<hbm>> -> memref<8x256xi32, #tpu.memory_space<hbm>>
        %dma_start3A_98 = arith.constant 0 : i32
        %dma_start3A_99 = tpu.memref_slice %arg2[%add3A_95, %dma_start3A_98] : memref<8192x256xi32, #tpu.memory_space<hbm>> -> memref<8x256xi32, #tpu.memory_space<hbm>>
        tpu.enqueue_dma source(%dma_start3A_99 : memref<8x256xi32, #tpu.memory_space<hbm>>) target(%arg6 : memref<8x256xi32, #tpu.memory_space<vmem>>) target_semaphore(%arg8 : memref<!tpu.dma_semaphore, #tpu.memory_space<semaphore_mem>>)
      } else {
      }
    }
    %scan3A_25 = arith.constant 16 : i32
    "tpu.region"() ({
      %run_scoped3A = tpu.sem_alloc : memref<!tpu.dma_semaphore, #tpu.memory_space<semaphore_mem>>
      %dma_start3A_26 = arith.constant 0 : i32
      %dma_start3A_27 = tpu.memref_slice %arg3[%add3A, %dma_start3A_26] : memref<32x32768xf32, #tpu.memory_space<hbm>> -> memref<1x32768xf32, #tpu.memory_space<hbm>>
      %dma_start3A_28 = tpu.memref_squeeze %dma_start3A_27 : memref<1x32768xf32, #tpu.memory_space<hbm>> -> memref<32768xf32, #tpu.memory_space<hbm>>
      %dma_start3A_29 = arith.constant 0 : i32
      %dma_start3A_30 = tpu.memref_slice %arg3[%add3A, %dma_start3A_29] : memref<32x32768xf32, #tpu.memory_space<hbm>> -> memref<1x32768xf32, #tpu.memory_space<hbm>>
      %dma_start3A_31 = tpu.memref_squeeze %dma_start3A_30 : memref<1x32768xf32, #tpu.memory_space<hbm>> -> memref<32768xf32, #tpu.memory_space<hbm>>
      tpu.enqueue_dma source(%arg4 : memref<32768xf32, #tpu.memory_space<vmem>>) target(%dma_start3A_31 : memref<32768xf32, #tpu.memory_space<hbm>>) target_semaphore(%run_scoped3A : memref<!tpu.dma_semaphore, #tpu.memory_space<semaphore_mem>>)
      %dma_wait3A = arith.constant 0 : i32
      %dma_wait3A_32 = tpu.memref_slice %arg3[%add3A, %dma_wait3A] : memref<32x32768xf32, #tpu.memory_space<hbm>> -> memref<1x32768xf32, #tpu.memory_space<hbm>>
      %dma_wait3A_33 = tpu.memref_squeeze %dma_wait3A_32 : memref<1x32768xf32, #tpu.memory_space<hbm>> -> memref<32768xf32, #tpu.memory_space<hbm>>
      %dma_wait3A_34 = arith.constant 0 : i32
      %dma_wait3A_35 = tpu.memref_slice %arg3[%add3A, %dma_wait3A_34] : memref<32x32768xf32, #tpu.memory_space<hbm>> -> memref<1x32768xf32, #tpu.memory_space<hbm>>
      %dma_wait3A_36 = tpu.memref_squeeze %dma_wait3A_35 : memref<1x32768xf32, #tpu.memory_space<hbm>> -> memref<32768xf32, #tpu.memory_space<hbm>>
      tpu.wait_dma2 semaphore(%run_scoped3A : memref<!tpu.dma_semaphore, #tpu.memory_space<semaphore_mem>>) src(%arg4 : memref<32768xf32, #tpu.memory_space<vmem>>) dst(%dma_wait3A_36 : memref<32768xf32, #tpu.memory_space<hbm>>)
      tpu.yield
    }) : () -> ()
    return
  }
}

module attributes {stable_mosaic.version = 14 : i64} {
  func.func @_finalize_body(%arg0: memref<8192x128xf32, #tpu.memory_space<vmem>>, %arg1: memref<1x128xf32, #tpu.memory_space<vmem>>, %arg2: memref<1x1xf32, #tpu.memory_space<smem>>) attributes {dimension_semantics = [], scalar_prefetch = 0 : i64, scratch_operands = 0 : i64, tpu.core_type = #tpu.core_type<tc>} {
    %get3A = arith.constant 0 : index
    %get3A_0 = arith.constant 0 : index
    %get3A_1 = vector.load %arg0[%get3A, %get3A_0] : memref<8192x128xf32, #tpu.memory_space<vmem>>, vector<8192x128xf32>
    %reshape3A = vector.shape_cast %get3A_1 : vector<8192x128xf32> to vector<32x256x128xf32>
    %reduce_sum3A = arith.constant dense<0.000000e+00> : vector<256x128xf32>
    %reduce_sum3A_2 = vector.multi_reduction <add>, %reshape3A, %reduce_sum3A [0] : vector<32x256x128xf32> to vector<256x128xf32>
    %iota3A = tpu.iota {dimensions = array<i32: 0>} : vector<128x8xi32>
    %jit3A = arith.constant 16 : i32
    %div3A = vector.broadcast %jit3A : i32 to vector<128x8xi32>
    %div3A_3 = arith.divsi %iota3A, %div3A : vector<128x8xi32>
    %sign3A = arith.constant 0 : i32
    %sign3A_4 = vector.broadcast %sign3A : i32 to vector<128x8xi32>
    %sign3A_5 = arith.cmpi sgt, %iota3A, %sign3A_4 : vector<128x8xi32>
    %sign3A_6 = arith.extui %sign3A_5 : vector<128x8xi1> to vector<128x8xi32>
    %sign3A_7 = arith.constant 0 : i32
    %sign3A_8 = vector.broadcast %sign3A_7 : i32 to vector<128x8xi32>
    %sign3A_9 = arith.cmpi slt, %iota3A, %sign3A_8 : vector<128x8xi32>
    %sign3A_10 = arith.extui %sign3A_9 : vector<128x8xi1> to vector<128x8xi32>
    %sign3A_11 = arith.subi %sign3A_6, %sign3A_10 : vector<128x8xi32>
    %sign3A_12 = arith.constant 0 : i32
    %sign3A_13 = arith.cmpi sgt, %jit3A, %sign3A_12 : i32
    %sign3A_14 = arith.extui %sign3A_13 : i1 to i32
    %sign3A_15 = arith.constant 0 : i32
    %sign3A_16 = arith.cmpi slt, %jit3A, %sign3A_15 : i32
    %sign3A_17 = arith.extui %sign3A_16 : i1 to i32
    %sign3A_18 = arith.subi %sign3A_14, %sign3A_17 : i32
    %ne3A = vector.broadcast %sign3A_18 : i32 to vector<128x8xi32>
    %ne3A_19 = arith.cmpi ne, %sign3A_11, %ne3A : vector<128x8xi32>
    %rem3A = vector.broadcast %jit3A : i32 to vector<128x8xi32>
    %rem3A_20 = arith.remsi %iota3A, %rem3A : vector<128x8xi32>
    %ne3A_21 = arith.constant 0 : i32
    %ne3A_22 = vector.broadcast %ne3A_21 : i32 to vector<128x8xi32>
    %ne3A_23 = arith.cmpi ne, %rem3A_20, %ne3A_22 : vector<128x8xi32>
    %and3A = arith.andi %ne3A_19, %ne3A_23 : vector<128x8xi1>
    %sub3A = arith.constant 1 : i32
    %sub3A_24 = vector.broadcast %sub3A : i32 to vector<128x8xi32>
    %sub3A_25 = arith.subi %div3A_3, %sub3A_24 : vector<128x8xi32>
    %select_n3A = arith.select %and3A, %sub3A_25, %div3A_3 : vector<128x8xi1>, vector<128x8xi32>
    %iota3A_26 = tpu.iota {dimensions = array<i32: 1>} : vector<128x8xi32>
    %eq3A = arith.cmpi eq, %select_n3A, %iota3A_26 : vector<128x8xi32>
    %convert_element_type3A = arith.extui %eq3A : vector<128x8xi1> to vector<128x8xi32>
    %convert_element_type3A_27 = arith.sitofp %convert_element_type3A : vector<128x8xi32> to vector<128x8xf32>
    %dot_general3A = arith.constant dense<0.000000e+00> : vector<256x8xf32>
    %dot_general3A_28 = tpu.matmul %reduce_sum3A_2, %convert_element_type3A_27, %dot_general3A {dimension_numbers = #tpu.dot_dimension_numbers<[1], [0], [0], [1], [0, 0, 1, 1], [], []>, precision = #tpu.contract_precision<fp32>, transpose_lhs_hint = false} : vector<256x128xf32>, vector<128x8xf32>, vector<256x8xf32> -> vector<256x8xf32>
    %slice3A = vector.extract_strided_slice %dot_general3A_28 {offsets = [0, 0], sizes = [128, 8], strides = [1, 1]} : vector<256x8xf32> to vector<128x8xf32>
    %slice3A_29 = vector.extract_strided_slice %dot_general3A_28 {offsets = [128, 0], sizes = [128, 8], strides = [1, 1]} : vector<256x8xf32> to vector<128x8xf32>
    %add3A = arith.addf %slice3A, %slice3A_29 : vector<128x8xf32>
    %iota3A_30 = tpu.iota {dimensions = array<i32: 0>} : vector<8x8xi32>
    %iota3A_31 = tpu.iota {dimensions = array<i32: 1>} : vector<8x8xi32>
    %le3A = arith.cmpi sle, %iota3A_30, %iota3A_31 : vector<8x8xi32>
    %convert_element_type3A_32 = arith.extui %le3A : vector<8x8xi1> to vector<8x8xi32>
    %convert_element_type3A_33 = arith.sitofp %convert_element_type3A_32 : vector<8x8xi32> to vector<8x8xf32>
    %iota3A_34 = tpu.iota {dimensions = array<i32: 0>} : vector<128x128xi32>
    %iota3A_35 = tpu.iota {dimensions = array<i32: 1>} : vector<128x128xi32>
    %lt3A = arith.cmpi slt, %iota3A_35, %iota3A_34 : vector<128x128xi32>
    %convert_element_type3A_36 = arith.extui %lt3A : vector<128x128xi1> to vector<128x128xi32>
    %convert_element_type3A_37 = arith.sitofp %convert_element_type3A_36 : vector<128x128xi32> to vector<128x128xf32>
    %dot_general3A_38 = arith.constant dense<0.000000e+00> : vector<128x8xf32>
    %dot_general3A_39 = tpu.matmul %add3A, %convert_element_type3A_33, %dot_general3A_38 {dimension_numbers = #tpu.dot_dimension_numbers<[1], [0], [0], [1], [0, 0, 1, 1], [], []>, precision = #tpu.contract_precision<fp32>, transpose_lhs_hint = false} : vector<128x8xf32>, vector<8x8xf32>, vector<128x8xf32> -> vector<128x8xf32>
    %dot_general3A_40 = arith.constant dense<0.000000e+00> : vector<128x8xf32>
    %dot_general3A_41 = tpu.matmul %convert_element_type3A_37, %add3A, %dot_general3A_40 {dimension_numbers = #tpu.dot_dimension_numbers<[1], [0], [0], [1], [0, 0, 1, 1], [], []>, precision = #tpu.contract_precision<fp32>, transpose_lhs_hint = false} : vector<128x128xf32>, vector<128x8xf32>, vector<128x8xf32> -> vector<128x8xf32>
    %reduce_sum3A_42 = arith.constant dense<0.000000e+00> : vector<128xf32>
    %reduce_sum3A_43 = vector.multi_reduction <add>, %dot_general3A_41, %reduce_sum3A_42 [1] : vector<128x8xf32> to vector<128xf32>
    %broadcast_in_dim3A = vector.shape_cast %reduce_sum3A_43 : vector<128xf32> to vector<128x1xf32>
    %add3A_44 = vector.broadcast %broadcast_in_dim3A : vector<128x1xf32> to vector<128x8xf32>
    %add3A_45 = arith.addf %dot_general3A_39, %add3A_44 : vector<128x8xf32>
    %dot_general3A_46 = arith.constant dense<0.000000e+00> : vector<128x8xf32>
    %dot_general3A_47 = tpu.matmul %slice3A_29, %convert_element_type3A_33, %dot_general3A_46 {dimension_numbers = #tpu.dot_dimension_numbers<[1], [0], [0], [1], [0, 0, 1, 1], [], []>, precision = #tpu.contract_precision<fp32>, transpose_lhs_hint = false} : vector<128x8xf32>, vector<8x8xf32>, vector<128x8xf32> -> vector<128x8xf32>
    %dot_general3A_48 = arith.constant dense<0.000000e+00> : vector<128x8xf32>
    %dot_general3A_49 = tpu.matmul %convert_element_type3A_37, %slice3A_29, %dot_general3A_48 {dimension_numbers = #tpu.dot_dimension_numbers<[1], [0], [0], [1], [0, 0, 1, 1], [], []>, precision = #tpu.contract_precision<fp32>, transpose_lhs_hint = false} : vector<128x128xf32>, vector<128x8xf32>, vector<128x8xf32> -> vector<128x8xf32>
    %reduce_sum3A_50 = arith.constant dense<0.000000e+00> : vector<128xf32>
    %reduce_sum3A_51 = vector.multi_reduction <add>, %dot_general3A_49, %reduce_sum3A_50 [1] : vector<128x8xf32> to vector<128xf32>
    %broadcast_in_dim3A_52 = vector.shape_cast %reduce_sum3A_51 : vector<128xf32> to vector<128x1xf32>
    %add3A_53 = vector.broadcast %broadcast_in_dim3A_52 : vector<128x1xf32> to vector<128x8xf32>
    %add3A_54 = arith.addf %dot_general3A_47, %add3A_53 : vector<128x8xf32>
    %reduce_sum3A_55 = vector.shape_cast %slice3A_29 : vector<128x8xf32> to vector<1x128x8xf32>
    %reduce_sum3A_56 = arith.constant dense<0.000000e+00> : vector<1xf32>
    %reduce_sum3A_57 = vector.multi_reduction <add>, %reduce_sum3A_55, %reduce_sum3A_56 [1, 2] : vector<1x128x8xf32> to vector<1xf32>
    %reduce_sum3A_58 = vector.shape_cast %reduce_sum3A_57 : vector<1xf32> to vector<1x1x1xf32>
    %reduce_sum3A_59 = vector.extract %reduce_sum3A_58[0, 0, 0] : f32 from vector<1x1x1xf32>
    %add3A_60 = vector.broadcast %reduce_sum3A_59 : f32 to vector<128x8xf32>
    %add3A_61 = arith.addf %add3A_60, %add3A_45 : vector<128x8xf32>
    %sub3A_62 = arith.subf %add3A_61, %add3A_54 : vector<128x8xf32>
    %max3A = arith.constant 1.000000e+00 : f32
    %max3A_63 = vector.broadcast %max3A : f32 to vector<128x8xf32>
    %max3A_64 = arith.maximumf %sub3A_62, %max3A_63 : vector<128x8xf32>
    %gt3A = arith.constant 0.000000e+00 : f32
    %gt3A_65 = vector.broadcast %gt3A : f32 to vector<128x8xf32>
    %gt3A_66 = arith.cmpf ogt, %add3A_45, %gt3A_65 : vector<128x8xf32>
    %convert_element_type3A_67 = arith.extui %gt3A_66 : vector<128x8xi1> to vector<128x8xi32>
    %convert_element_type3A_68 = arith.sitofp %convert_element_type3A_67 : vector<128x8xi32> to vector<128x8xf32>
    %sub3A_69 = vector.broadcast %reduce_sum3A_59 : f32 to vector<128x8xf32>
    %sub3A_70 = arith.subf %sub3A_69, %add3A_54 : vector<128x8xf32>
    %div3A_71 = arith.divf %sub3A_70, %max3A_64 : vector<128x8xf32>
    %sub3A_72 = arith.constant 1.000000e+00 : f32
    %sub3A_73 = vector.broadcast %sub3A_72 : f32 to vector<128x8xf32>
    %sub3A_74 = arith.subf %sub3A_73, %div3A_71 : vector<128x8xf32>
    %mul3A = arith.mulf %sub3A_74, %convert_element_type3A_68 : vector<128x8xf32>
    %iota3A_75 = tpu.iota {dimensions = array<i32: 0>} : vector<128x8xi32>
    %mul3A_76 = arith.constant 8 : i32
    %mul3A_77 = vector.broadcast %mul3A_76 : i32 to vector<128x8xi32>
    %mul3A_78 = arith.muli %iota3A_75, %mul3A_77 : vector<128x8xi32>
    %iota3A_79 = tpu.iota {dimensions = array<i32: 1>} : vector<128x8xi32>
    %add3A_80 = arith.addi %mul3A_78, %iota3A_79 : vector<128x8xi32>
    %convert_element_type3A_81 = arith.sitofp %add3A_80 : vector<128x8xi32> to vector<128x8xf32>
    %get3A_82 = arith.constant 0 : index
    %get3A_83 = arith.constant 0 : index
    %get3A_84 = vector.load %arg1[%get3A_82, %get3A_83] : memref<1x128xf32, #tpu.memory_space<vmem>>, vector<1x1xf32>
    %get3A_85 = vector.extract %get3A_84[0, 0] : f32 from vector<1x1xf32>
    %add3A_86 = arith.constant 1.000000e+00 : f32
    %add3A_87 = arith.addf %add3A_86, %get3A_85 : f32
    %div3A_88 = arith.constant 1.024000e+03 : f32
    %div3A_89 = arith.divf %add3A_87, %div3A_88 : f32
    %add3A_90 = arith.constant 5.000000e-01 : f32
    %add3A_91 = vector.broadcast %add3A_90 : f32 to vector<128x8xf32>
    %add3A_92 = arith.addf %convert_element_type3A_81, %add3A_91 : vector<128x8xf32>
    %mul3A_93 = vector.broadcast %div3A_89 : f32 to vector<128x8xf32>
    %mul3A_94 = arith.mulf %add3A_92, %mul3A_93 : vector<128x8xf32>
    %sub3A_95 = vector.broadcast %add3A_87 : f32 to vector<128x8xf32>
    %sub3A_96 = arith.subf %sub3A_95, %mul3A_94 : vector<128x8xf32>
    %max3A_97 = arith.constant 0.000000e+00 : f32
    %max3A_98 = vector.broadcast %max3A_97 : f32 to vector<128x8xf32>
    %max3A_99 = arith.maximumf %sub3A_96, %max3A_98 : vector<128x8xf32>
    %add3A_100 = arith.constant 1.500000e+00 : f32
    %add3A_101 = vector.broadcast %add3A_100 : f32 to vector<128x8xf32>
    %add3A_102 = arith.addf %convert_element_type3A_81, %add3A_101 : vector<128x8xf32>
    %mul3A_103 = vector.broadcast %div3A_89 : f32 to vector<128x8xf32>
    %mul3A_104 = arith.mulf %add3A_102, %mul3A_103 : vector<128x8xf32>
    %sub3A_105 = vector.broadcast %add3A_87 : f32 to vector<128x8xf32>
    %sub3A_106 = arith.subf %sub3A_105, %mul3A_104 : vector<128x8xf32>
    %max3A_107 = arith.constant 0.000000e+00 : f32
    %max3A_108 = vector.broadcast %max3A_107 : f32 to vector<128x8xf32>
    %max3A_109 = arith.maximumf %sub3A_106, %max3A_108 : vector<128x8xf32>
    %sub3A_110 = arith.subf %max3A_99, %max3A_109 : vector<128x8xf32>
    %mul3A_111 = arith.mulf %mul3A, %sub3A_110 : vector<128x8xf32>
    %reduce_sum3A_112 = vector.shape_cast %mul3A_111 : vector<128x8xf32> to vector<1x128x8xf32>
    %reduce_sum3A_113 = arith.constant dense<0.000000e+00> : vector<1xf32>
    %reduce_sum3A_114 = vector.multi_reduction <add>, %reduce_sum3A_112, %reduce_sum3A_113 [1, 2] : vector<1x128x8xf32> to vector<1xf32>
    %reduce_sum3A_115 = vector.shape_cast %reduce_sum3A_114 : vector<1xf32> to vector<1x1x1xf32>
    %reduce_sum3A_116 = vector.extract %reduce_sum3A_115[0, 0, 0] : f32 from vector<1x1x1xf32>
    %swap3A = arith.constant 0 : index
    %swap3A_117 = arith.constant 0 : index
    %swap3A_118 = memref.load %arg2[%swap3A, %swap3A_117] : memref<1x1xf32, #tpu.memory_space<smem>>
    memref.store %reduce_sum3A_116, %arg2[%swap3A, %swap3A_117] : memref<1x1xf32, #tpu.memory_space<smem>>
    return
  }
}

module attributes {stable_mosaic.version = 14 : i64} {
  func.func @_maxabs_body(%arg0: i32, %arg1: memref<1024x512xf32, #tpu.memory_space<vmem>>, %arg2: memref<1x128xf32, #tpu.memory_space<vmem>>) attributes {dimension_semantics = [#tpu.dimension_semantics<arbitrary>], iteration_bounds = array<i64: 8>, scalar_prefetch = 0 : i64, scratch_operands = 0 : i64, tpu.core_type = #tpu.core_type<tc>, window_params = [{transform_indices = @transform_0, window_bounds = array<i64: 1024, 512>}, {pipeline_mode = #tpu.pipeline_mode<synchronous>, transform_indices = @transform_1, window_bounds = array<i64: 1, 128>}]} {
    %eq3A = arith.constant 0 : i32
    %eq3A_0 = arith.cmpi eq, %arg0, %eq3A : i32
    %convert_element_type3A = arith.extui %eq3A_0 : i1 to i32
    %cond3A = arith.constant 0 : i32
    %cond3A_1 = arith.cmpi ne, %convert_element_type3A, %cond3A : i32
    scf.if %cond3A_1 {
      %broadcast_in_dim3A = arith.constant 0.000000e+00 : f32
      %broadcast_in_dim3A_14 = vector.broadcast %broadcast_in_dim3A : f32 to vector<1x128xf32>
      %swap3A_15 = arith.constant 0 : index
      %swap3A_16 = arith.constant 0 : index
      %swap3A_17 = vector.load %arg2[%swap3A_15, %swap3A_16] : memref<1x128xf32, #tpu.memory_space<vmem>>, vector<1x128xf32>
      tpu.vector_store %arg2[%swap3A_15, %swap3A_16], %broadcast_in_dim3A_14 {strides = array<i32>} : memref<1x128xf32, #tpu.memory_space<vmem>>, vector<1x128xf32>,
    } else {
    }
    %get3A = arith.constant 0 : index
    %get3A_2 = arith.constant 0 : index
    %get3A_3 = vector.load %arg2[%get3A, %get3A_2] : memref<1x128xf32, #tpu.memory_space<vmem>>, vector<1x128xf32>
    %get3A_4 = arith.constant 0 : index
    %get3A_5 = arith.constant 0 : index
    %get3A_6 = vector.load %arg1[%get3A_4, %get3A_5] : memref<1024x512xf32, #tpu.memory_space<vmem>>, vector<1024x512xf32>
    %abs3A = math.absf %get3A_6 : vector<1024x512xf32>
    %reduce_max3A = vector.shape_cast %abs3A : vector<1024x512xf32> to vector<1x1024x512xf32>
    %reduce_max3A_7 = arith.constant dense<0xFF800000> : vector<1xf32>
    %reduce_max3A_8 = vector.multi_reduction <maximumf>, %reduce_max3A, %reduce_max3A_7 [1, 2] : vector<1x1024x512xf32> to vector<1xf32>
    %reduce_max3A_9 = vector.shape_cast %reduce_max3A_8 : vector<1xf32> to vector<1x1x1xf32>
    %reduce_max3A_10 = vector.extract %reduce_max3A_9[0, 0, 0] : f32 from vector<1x1x1xf32>
    %max3A = vector.broadcast %reduce_max3A_10 : f32 to vector<1x128xf32>
    %max3A_11 = arith.maximumf %get3A_3, %max3A : vector<1x128xf32>
    %swap3A = arith.constant 0 : index
    %swap3A_12 = arith.constant 0 : index
    %swap3A_13 = vector.load %arg2[%swap3A, %swap3A_12] : memref<1x128xf32, #tpu.memory_space<vmem>>, vector<1x128xf32>
    tpu.vector_store %arg2[%swap3A, %swap3A_12], %max3A_11 {strides = array<i32>} : memref<1x128xf32, #tpu.memory_space<vmem>>, vector<1x128xf32>,
    return
  }
  func.func @transform_0(%arg0: i32) -> (i32, i32) {
    %c0_i32 = arith.constant 0 : i32
    %c0_i32_0 = arith.constant 0 : i32
    return %arg0, %c0_i32 : i32, i32
  }
  func.func @transform_1(%arg0: i32) -> (i32, i32) {
    %c0_i32 = arith.constant 0 : i32
    %c0_i32_0 = arith.constant 0 : i32
    %c0_i32_1 = arith.constant 0 : i32
    return %c0_i32, %c0_i32_0 : i32, i32
  }
}

module attributes {stable_mosaic.version = 14 : i64} {
  func.func @_bin_body(%arg0: i32, %arg1: memref<1024x512xf32, #tpu.memory_space<vmem>>, %arg2: memref<1024x512xi32, #tpu.memory_space<vmem>>, %arg3: memref<1x128xf32, #tpu.memory_space<vmem>>, %arg4: memref<1024x256xi32, #tpu.memory_space<vmem>>) attributes {dimension_semantics = [#tpu.dimension_semantics<arbitrary>], iteration_bounds = array<i64: 8>, scalar_prefetch = 0 : i64, scratch_operands = 0 : i64, tpu.core_type = #tpu.core_type<tc>, window_params = [{transform_indices = @transform_0, window_bounds = array<i64: 1024, 512>}, {transform_indices = @transform_1, window_bounds = array<i64: 1024, 512>}, {pipeline_mode = #tpu.pipeline_mode<synchronous>, transform_indices = @transform_2, window_bounds = array<i64: 1, 128>}, {transform_indices = @transform_3, window_bounds = array<i64: 1024, 256>}]} {
    %get3A = arith.constant 0 : index
    %get3A_0 = arith.constant 0 : index
    %get3A_1 = vector.load %arg3[%get3A, %get3A_0] : memref<1x128xf32, #tpu.memory_space<vmem>>, vector<1x1xf32>
    %get3A_2 = vector.extract %get3A_1[0, 0] : f32 from vector<1x1xf32>
    %add3A = arith.constant 1.000000e+00 : f32
    %add3A_3 = arith.addf %get3A_2, %add3A : f32
    %div3A = arith.constant 1.024000e+03 : f32
    %div3A_4 = arith.divf %div3A, %add3A_3 : f32
    %mul3A = arith.mulf %get3A_2, %div3A_4 : f32
    %get3A_5 = arith.constant 0 : index
    %get3A_6 = arith.constant 0 : index
    %get3A_7 = vector.load %arg1[%get3A_5, %get3A_6] : memref<1024x512xf32, #tpu.memory_space<vmem>>, vector<1024x512xf32>
    %get3A_8 = arith.constant 0 : index
    %get3A_9 = arith.constant 0 : index
    %get3A_10 = vector.load %arg2[%get3A_8, %get3A_9] : memref<1024x512xi32, #tpu.memory_space<vmem>>, vector<1024x512xi32>
    %gt3A = arith.constant 0 : i32
    %gt3A_11 = vector.broadcast %gt3A : i32 to vector<1024x512xi32>
    %gt3A_12 = arith.cmpi sgt, %get3A_10, %gt3A_11 : vector<1024x512xi32>
    %mul3A_13 = vector.broadcast %div3A_4 : f32 to vector<1024x512xf32>
    %mul3A_14 = arith.mulf %get3A_7, %mul3A_13 : vector<1024x512xf32>
    %add3A_15 = vector.broadcast %mul3A : f32 to vector<1024x512xf32>
    %add3A_16 = arith.addf %add3A_15, %mul3A_14 : vector<1024x512xf32>
    %sub3A = vector.broadcast %mul3A : f32 to vector<1024x512xf32>
    %sub3A_17 = arith.subf %sub3A, %mul3A_14 : vector<1024x512xf32>
    %select_n3A = arith.select %gt3A_12, %add3A_16, %sub3A_17 : vector<1024x512xi1>, vector<1024x512xf32>
    %min3A = arith.constant 1.023000e+03 : f32
    %min3A_18 = vector.broadcast %min3A : f32 to vector<1024x512xf32>
    %min3A_19 = arith.minimumf %select_n3A, %min3A_18 : vector<1024x512xf32>
    %jit3A = arith.constant 1.024000e+03 : f32
    %jit3A_20 = arith.constant 0.000000e+00 : f32
    %broadcast_in_dim3A = vector.broadcast %jit3A : f32 to vector<1024x512xf32>
    %broadcast_in_dim3A_21 = vector.broadcast %jit3A_20 : f32 to vector<1024x512xf32>
    %select_n3A_22 = arith.select %gt3A_12, %broadcast_in_dim3A, %broadcast_in_dim3A_21 : vector<1024x512xi1>, vector<1024x512xf32>
    %add3A_23 = arith.addf %min3A_19, %select_n3A_22 : vector<1024x512xf32>
    %iota3A = tpu.iota {dimensions = array<i32: 1>} : vector<1024x512xi32>
    %and3A = arith.constant 15 : i32
    %and3A_24 = vector.broadcast %and3A : i32 to vector<1024x512xi32>
    %and3A_25 = arith.andi %iota3A, %and3A_24 : vector<1024x512xi32>
    %convert_element_type3A = arith.fptosi %add3A_23 : vector<1024x512xf32> to vector<1024x512xi32>
    %shift_left3A = arith.constant 4 : i32
    %shift_left3A_26 = vector.broadcast %shift_left3A : i32 to vector<1024x512xi32>
    %shift_left3A_27 = arith.shli %convert_element_type3A, %shift_left3A_26 : vector<1024x512xi32>
    %or3A = arith.ori %shift_left3A_27, %and3A_25 : vector<1024x512xi32>
    %slice3A = vector.extract_strided_slice %or3A {offsets = [0, 0], sizes = [1024, 256], strides = [1, 1]} : vector<1024x512xi32> to vector<1024x256xi32>
    %slice3A_28 = vector.extract_strided_slice %or3A {offsets = [0, 256], sizes = [1024, 256], strides = [1, 1]} : vector<1024x512xi32> to vector<1024x256xi32>
    %shift_left3A_29 = arith.constant 16 : i32
    %shift_left3A_30 = vector.broadcast %shift_left3A_29 : i32 to vector<1024x256xi32>
    %shift_left3A_31 = arith.shli %slice3A_28, %shift_left3A_30 : vector<1024x256xi32>
    %or3A_32 = arith.ori %slice3A, %shift_left3A_31 : vector<1024x256xi32>
    %swap3A = arith.constant 0 : index
    %swap3A_33 = arith.constant 0 : index
    %swap3A_34 = vector.load %arg4[%swap3A, %swap3A_33] : memref<1024x256xi32, #tpu.memory_space<vmem>>, vector<1024x256xi32>
    tpu.vector_store %arg4[%swap3A, %swap3A_33], %or3A_32 {strides = array<i32>} : memref<1024x256xi32, #tpu.memory_space<vmem>>, vector<1024x256xi32>,
    return
  }
  func.func @transform_0(%arg0: i32) -> (i32, i32) {
    %c0_i32 = arith.constant 0 : i32
    %c0_i32_0 = arith.constant 0 : i32
    return %arg0, %c0_i32 : i32, i32
  }
  func.func @transform_1(%arg0: i32) -> (i32, i32) {
    %c0_i32 = arith.constant 0 : i32
    %c0_i32_0 = arith.constant 0 : i32
    return %arg0, %c0_i32 : i32, i32
  }
  func.func @transform_2(%arg0: i32) -> (i32, i32) {
    %c0_i32 = arith.constant 0 : i32
    %c0_i32_0 = arith.constant 0 : i32
    %c0_i32_1 = arith.constant 0 : i32
    return %c0_i32, %c0_i32_0 : i32, i32
  }
  func.func @transform_3(%arg0: i32) -> (i32, i32) {
    %c0_i32 = arith.constant 0 : i32
    %c0_i32_0 = arith.constant 0 : i32
    return %arg0, %c0_i32 : i32, i32
  }
}

</mosaic_0001>

<sc_bundles>
// kernel: kernel.6.cloned.1.call-start
scs
__scs_entry_jumppad:
0x0: {  	(pc) =	sbr.rel $0x88, $3  }
0x1: {  	(tag) =	ssettag $0x0;
	lr =	simm.s32 $0x1  }
0x2: {  	[smem:$0x3F9F] =	sst lr;
	_ =	strace $0xD0000000  }
0x3: {  	_ = 	snop  }
0x4: {  	_ = 	snop  }
0x5: {  	_ = 	snop  }
0x6: {  	_ = 	snop  }
0x7: {  	_ = 	snop  }
__scs_overlays_trampoline_lowered:
0x8: {  	[smem:$0x3FAE] =	sst s0  }
0x9: {  	[smem:$0x3FAF] =	sst s1  }
0xa: {  	[smem:$0x3FB0] =	sst s2  }
0xb: {  	[smem:$0x3FB1] =	sst s3  }
0xc: {  	[smem:$0x3FB2] =	sst s4  }
0xd: {  	[smem:$0x3FB3] =	sst s5  }
0xe: {  	[smem:$0x3FB4] =	sst s6  }
0xf: {  	[smem:$0x3FB5] =	sst s7  }
0x10: {  	[smem:$0x3FB6] =	sst s8  }
0x11: {  	[smem:$0x3FB7] =	sst s9;
	s0 =	simm.s32 @!p0 $0x0  }
0x12: {  	s1 =	sld [smem:$0x3F9D];
	s0 =	simm.s32 @p0 $0x1  }
0x13: {  	[smem:$0x3FB8] =	sst s0;
	s0 =	simm.s32 @!p1 $0x0  }
0x14: {  	s2 =	sld [smem:$0x3F9C];
	s0 =	simm.s32 @p1 $0x1  }
0x15: {  	[smem:$0x3FB9] =	sst s0;
	s0 =	simm.s32 @!p2 $0x0  }
0x16: {  	s3 =	sld [smem:$0x3FDB];
	s0 =	simm.s32 @p2 $0x1  }
0x17: {  	s4 =	simm.s32 $0x1BF5;
	[smem:$0x3FBB] =	sst s0  }
0x18: {  	s0 =	sld [smem:$0x3F9E];
	_ =	swait.ge [sflag:s4], $0x0  }
0x19: {  	s7 =	sld [smem:$0x3F9F]  }
0x1a: {  	s8 =	sadd.s32 $0xFFFFE003, lr  }
0x1b: {  	s9 =	sadd.s32 $0xFFFFFEF7, lr;
	s5 =	simm.s32 $0xFFFFFFFF;
	p2 =	slt.u32 s8, $0xFFFFF086  }
0x1c: {  	p1 =	slt.u32 s9, $0xF7A;
	s5 =	simm.s32 @!p2 $0x0  }
0x1d: {  	s5 =	simm.s32 @p1 $0x1;
	p0 =	seq.s32 s7, s2  }
0x1e: {  	s7 =	smul.u32 @!p0 $0xF7A, s2;
	p2 =	seq.s32 @!p0 s5, $0x0  }
0x1f: {  	s9 =	smul.u32 $0xF7A, s1;
	s8 =	simm.s32 @!p0 $0x1BF5;
	p2 =	por !p2, p0  }
0x20: {  	[sflag:s8] =	ssyncset.s32 @!p0 $0xFFFFF086;
	s6 =	sadd.s32 @!p0 s3, s7;
	s7 =	simm.s32 @!p0 $0x108  }
0x21: {  	s3 =	sadd.s32 s3, s9;
	s6 =	sadd.s32 @!p0 $0x88, s6;
	s7 =	simm.s32 @p2 $0x1082  }
0x22: {  	[simem:s7], [sflag:s8] =	dma.local @!p0 [hbm:s6], $0xF7A  }
0x23: {  	s9 =	sor.u32 $0xD0000000, s2;
	s6 =	simm.s32 $0x108;
	_ =	swait.ge @!p0 [sflag:s8], $0x0  }
0x24: {  	s3 =	sadd.s32 $0x88, s3;
	s6 =	simm.s32 @!p1 $0x1082;
	[sflag:s4] =	ssyncset.s32 $0xFFFFF086  }
0x25: {  	[simem:s6], [sflag:s4] =	dma.local [hbm:s3], $0xF7A  }
0x26: {  	[smem:$0x3F9F] =	sst s1;
	(tag) =	ssettag s2;
	_ =	strace s9  }
0x27: {  	s1 =	sld [smem:$0x3FAF]  }
0x28: {  	s2 =	sld [smem:$0x3FB0]  }
0x29: {  	s4 =	sld [smem:$0x3FB2]  }
0x2a: {  	p0 =	seq.s32 s5, $0x0;
	s5 =	sld [smem:$0x3FB3]  }
0x2b: {  	s6 =	sld [smem:$0x3FB4]  }
0x2c: {  	s7 =	sld [smem:$0x3FB5]  }
0x2d: {  	s3 =	simm.s32 $0x108;
	s8 =	sld [smem:$0x3FB6]  }
0x2e: {  	s3 =	simm.s32 @!p0 $0x1082;
	s9 =	sld [smem:$0x3FB7]  }
0x2f: {  	lr =	sadd.s32 s0, s3;
	s0 =	sld [smem:$0x3FAE]  }
0x30: {  	s3 =	sld [smem:$0x3FB1]  }
0x31: {  	[smem:$0x3FBA] =	sst s10  }
0x32: {  	s10 =	sld [smem:$0x3FB8];
	_ =	sdelay $0x3  }
0x33: {  	p0 =	seq.s32 s10, $0x1;
	s10 =	sld [smem:$0x3FBA];
	_ =	sdelay $0x3  }
0x34: {  	[smem:$0x3FBA] =	sst s10  }
0x35: {  	s10 =	sld [smem:$0x3FB9];
	_ =	sdelay $0x3  }
0x36: {  	p1 =	seq.s32 s10, $0x1;
	s10 =	sld [smem:$0x3FBA];
	_ =	sdelay $0x3  }
0x37: {  	[smem:$0x3FBA] =	sst s10  }
0x38: {  	s10 =	sld [smem:$0x3FBB]  }
0x39: {  	_ = 	snop;
	(pc) =	sbr.ind lr, $3  }
0x3a: {  	_ = 	snop  }
0x3b: {  	_ = 	snop  }
0x3c: {  	p2 =	seq.s32 s10, $0x1;
	s10 =	sld [smem:$0x3FBA]  }
0x3d: {  	_ =	shalt  }
0x3e: {  	_ =	shalt  }
0x3f: {  	_ =	shalt  }
0x40: {  	_ =	shalt  }
0x41: {  	_ =	shalt  }
0x42: {  	_ =	shalt  }
0x43: {  	_ =	shalt  }
0x44: {  	_ =	shalt  }
0x45: {  	_ =	shalt  }
0x46: {  	_ =	shalt  }
0x47: {  	_ =	shalt  }
0x48: {  	_ =	shalt  }
0x49: {  	_ =	shalt  }
0x4a: {  	_ =	shalt  }
0x4b: {  	_ =	shalt  }
0x4c: {  	_ =	shalt  }
0x4d: {  	_ =	shalt  }
0x4e: {  	_ =	shalt  }
0x4f: {  	_ =	shalt  }
0x50: {  	_ =	shalt  }
0x51: {  	_ =	shalt  }
0x52: {  	_ =	shalt  }
0x53: {  	_ =	shalt  }
0x54: {  	_ =	shalt  }
0x55: {  	_ =	shalt  }
0x56: {  	_ =	shalt  }
0x57: {  	_ =	shalt  }
0x58: {  	_ =	shalt  }
0x59: {  	_ =	shalt  }
0x5a: {  	_ =	shalt  }
0x5b: {  	_ =	shalt  }
0x5c: {  	_ =	shalt  }
0x5d: {  	_ =	shalt  }
0x5e: {  	_ =	shalt  }
0x5f: {  	_ =	shalt  }
0x60: {  	_ =	shalt  }
0x61: {  	_ =	shalt  }
0x62: {  	_ =	shalt  }
0x63: {  	_ =	shalt  }
0x64: {  	_ =	shalt  }
0x65: {  	_ =	shalt  }
0x66: {  	_ =	shalt  }
0x67: {  	_ =	shalt  }
0x68: {  	_ =	shalt  }
0x69: {  	_ =	shalt  }
0x6a: {  	_ =	shalt  }
0x6b: {  	_ =	shalt  }
0x6c: {  	_ =	shalt  }
0x6d: {  	_ =	shalt  }
0x6e: {  	_ =	shalt  }
0x6f: {  	_ =	shalt  }
0x70: {  	_ =	shalt  }
0x71: {  	_ =	shalt  }
0x72: {  	_ =	shalt  }
0x73: {  	_ =	shalt  }
0x74: {  	_ =	shalt  }
0x75: {  	_ =	shalt  }
0x76: {  	_ =	shalt  }
0x77: {  	_ =	shalt  }
0x78: {  	_ =	shalt  }
0x79: {  	_ =	shalt  }
0x7a: {  	_ =	shalt  }
0x7b: {  	_ =	shalt  }
0x7c: {  	_ =	shalt  }
0x7d: {  	_ =	shalt  }
0x7e: {  	_ =	shalt  }
0x7f: {  	_ =	shalt  }
0x80: {  	_ =	shalt  }
0x81: {  	_ =	shalt  }
0x82: {  	_ =	shalt  }
0x83: {  	_ =	shalt  }
0x84: {  	_ =	shalt  }
0x85: {  	_ =	shalt  }
0x86: {  	_ =	shalt  }
0x87: {  	_ =	shalt  }
.Lfunc_end0:
.L_simem_size_0:
called_computation_lowered:
.L_overlay_start_0:
0x88: {  	s2 =	sld [smem:$0x3FD9]  }
0x89: {  	s3 =	sld [smem:$0x3FFE];
	_ =	sdelay $0x1  }
0x8a: {  	s1 =	srdreg.scid  }
0x8b: {  	s0 =	sand.u32 $0x1, s1  }
0x8c: {  	s16 =	sshll.u32 s0, $0xA;
	s2 =	sadd.s32 s3, s2  }
0x8d: {  	s2 =	sadd.s32 s2, s16  }
0x8e: {  	[smem:$0x3FC6] =	sst s2  }
0x8f: {  	_ = 	snop  }
0x90: {  	(tm) =	ssettm $0x1  }
0x91: {  	s17 =	sld [smem:$0x3FFB];
	_ =	sdelay $0x3  }
0x92: {  	_ =	strace s17  }
0x93: {  	s2 =	sld [smem:$0x3FFC];
	_ =	sdelay $0x3  }
0x94: {  	_ =	strace s2  }
0x95: {  	s2 =	sld [smem:$0x3FFD];
	_ =	sdelay $0x3  }
0x96: {  	_ =	strace s2  }
0x97: {  	_ =	strace $0x8FFFFFFF  }
0x98: {  	s18 =	sld [smem:$0x3FDB];
	_ =	sdelay $0x1  }
0x99: {  	s19 =	simm.s32 $_scs_section_size  }
0x9a: {  	s4 =	simm.s32 $_size__tile_overlayer_lowered;
	s5 =	simm.s32 $_tile_overlayer_lowered  }
0x9b: {  	s22 =	simm.s32 $0x1BFF;
	s21 =	sshll.u32 s5, $0x1;
	s2 =	sadd.s32 s19, s18  }
0x9c: {  	s6 =	simm.s32 $0x0;
	s20 =	sshll.u32 s4, $0x1;
	s4 =	sadd.s32 s21, s2  }
0x9d: {  	[timem:s6], [sflag:s22] =	dma.local [hbm:s4], s20  }
0x9e: {  	_ =	swait.ge [sflag:s22], s20  }
0x9f: {  	s3 =	ssub.s32 $0x0, s20;
	[sflag:s22] =	ssyncset.done $0x0  }
0xa0: {  	[sflag:s22] =	ssyncadd.s32 s3;
	_ =	sdelay $0x1  }
0xa1: {  	s23 =	simm.s32 $0x1B8B  }
0xa2: {  	_ =	swait.ge [sflag:s23], $0x1  }
0xa3: {  	[sflag:s23] =	ssyncset.done $0x0  }
0xa4: {  	s25 =	simm.s32 $0x1B8E;
	s24 =	sld [smem:$0x3FFE];
	[sflag:s23] =	ssyncadd.s32 $0xFFFFFFFF  }
0xa5: {  	s26 =	simm.s32 $execute0_lowered;
	[smem:$0x3FD2] =	sst s25  }
0xa6: {  	s4 =	sshll.u32 s26, $0x1;
	_ =	strace $0x80000046;
	[dreg:$0x1] =	wrdreg $0xFFFFFFFF  }
0xa7: {  	s28 =	simm.s32 $_size_execute0_lowered;
	s2 =	sadd.s32 s2, s4;
	[dreg:$0x0] =	wrdreg $0x0  }
0xa8: {  	s4 =	sshll.u32 s28, $0x1;
	[dreg:$0x2] =	wrdreg s2  }
0xa9: {  	[dreg:$0x3] =	wrdreg s4  }
0xaa: {  	[dreg:$0x4] =	wrdreg $0xC0  }
0xab: {  	_ =	task [dreg:s6], $0x5FFFF  }
0xac: {  	[dreg:$0x1] =	wrdreg $0xFFFFFFFF  }
0xad: {  	[dreg:$0x0] =	wrdreg $0x60  }
0xae: {  	[dreg:$0x2] =	wrdreg s24  }
0xaf: {  	[dreg:$0x3] =	wrdreg $0x9  }
0xb0: {  	_ =	task.clear_ibuf [dreg:s6], $0x4FFFF;
	_ =	strace $0x90000046  }
0xb1: {  	s29 =	simm.s32 $0x9;
	_ =	strace $0x80000048  }
0xb2: {  	_ =	swait.ge [sflag:s29], $0x1  }
0xb3: {  	[sflag:s29] =	ssyncadd.s32 $0xFFFFFFFF  }
0xb4: {  	_ =	strace $0x90000048  }
0xb5: {  	_ =	sfence  }
0xb6: {  	s30 =	sld [smem:$0x0];
	_ =	sdelay $0x2  }
0xb7: {  	s31 =	sshll.u32 s1, $0xD;
	s1 =	sshrl.u32 s1, $0x2  }
0xb8: {  	s3 =	sand.u32 $0x4000, s31;
	s1 =	sadd.s32 s1, s30  }
0xb9: {  	s0 =	sor.u32 s3, s0;
	s1 =	sshll.u32 s1, $0x11  }
0xba: {  	s0 =	sor.u32 s1, s0  }
0xbb: {  	s0 =	sadd.s32 $0x8F2B, s0  }
0xbc: {  	[sflag:s0] =	ssyncadd.remote.s32 $0x1  }
0xbd: {  	_ =	sfence.sel $0xFFFF  }
0xbe: {  	[dreg:$0x0] =	wrdreg $0xFFFFFFFF;
	(pc) =	sbr.abs _section_cstart, $3  }
0xbf: {  	[dreg:$0x1] =	wrdreg $0xFFFFFFFF  }
0xc0: {  	_ =	task.clear_ibuf [dreg:s6], $0x2FFFF;
	_ =	strace $0x9FFFFFFF  }
0xc1: {  	(tm) =	ssettm $0x7FFFFFFF  }
tec
execute0_lowered:
.L_overlay_start_1:
0x0: {  	(tag) =	ssettag $0x1  }
0x1: {  	s3 =	rddreg [dreg:$0x0]  }
0x2: {  	s0 =	rddreg [dreg:$0x1]  }
0x3: {  	s2 =	simm.s32 $0x0;
	s1 =	stileid.u32;
	s4 =	srdreg.scid  }
0x4: {  	s11 =	simm.s32 $0x2;
	s12 =	simm.s32 $0x80;
	s13 =	simm.s32 $0x400  }
0x5: {  	s14 =	simm.s32 $0x3;
	s15 =	simm.s32 $0x0;
	[smem:$0x7FF] =	sst s2  }
0x6: {  	s5 =	sshll.u32 s1, $0xD;
	s7 =	sand.u32 $0x1, s4;
	s30 =	sshll.u32 s1, $0x1  }
0x7: {  	s8 =	sadd.s32 $0x800, s3;
	s10 =	sshll.u32 s1, $0xE;
	_ =	strace $0x80000047  }
0x8: {  	s5 =	sand.u32 $0x18000, s5;
	s4 =	sor.u32 s7, s30;
	s31 =	ssub.s32 $0x2, s7  }
0x9: {  	s7 =	sshll.u32 s7, $0xD;
	s5 =	sadd.s32 s5, s3;
	s6 =	sshll.u32 s4, $0x4  }
.Ltmp0:
0xa: {  	s9 =	sshrl.u32 s31, $0x1;
	s4 =	sshll.u32 s4, $0xD;
	(pc) =	sbr.rel .LBB2_1-.Ltmp0, $4  }
0xb: {  	s6 =	sand.u32 $0x70, s6;
	s9 =	ssub.s32 s31, s9;
	s3 =	sadd.s32 s8, s4  }
0xc: {  	s8 =	sadd.s32 s10, s8;
	s10 =	simm.s32 $0x1;
	s5 =	sadd.s32 s6, s5  }
0xd: {  	s4 =	sadd.s32 $0x100, s3;
	s6 =	smax.u32 s9, $0x1;
	s7 =	sadd.s32 s7, s8  }
0xe: {  	v0 =	vimm.f32 $0.0e+00;
	v1 =	vimm.f32 $1.000000000e+00;
	s8 =	simm.s32 $0x8000;
	s9 =	simm.s32 $0x8800;
	s5 =	sadd.s32 $0x40800, s5  }
.LBB2_6:
0xf: {  	s15 =	sadd.s32 $0x1, s15  }
0x10: {  	p0 =	sne.s32 s15, s6  }
.Ltmp1:
0x11: {  	_ = 	snop;
	(pc) =	sbr.rel @!p0 .LBB2_7-.Ltmp1, $4  }
0x12: {  	[hbm4b:s5+s12] =	stream.strided.scatter [tilespmem:s2], [sflag:$0x3], $0x8000, s13, s12, $0x38;
	[tilespmem:$0x9000] =	vst v63  }
0x13: {  	_ =	swait.ge [sflag:s14], $0x8000  }
0x14: {  	[sflag:s14] =	ssyncset.done $0x0  }
0x15: {  	[sflag:s14] =	ssyncadd.s32 $0xFFFF8000  }
.LBB2_1:
0x16: {  	s16 =	simm.s32 $0x40  }
0x17: {  	[tilespmem:s16+$0xFFFFFFC0] =	vst v0  }
0x18: {  	[tilespmem:s16+$0x30] =	vst v0  }
0x19: {  	[tilespmem:s16+$0x20] =	vst v0  }
0x1a: {  	[tilespmem:s16+$0x10] =	vst v0  }
0x1b: {  	[tilespmem:s16+$0x0] =	vst v0  }
0x1c: {  	[tilespmem:s16+$0xFFFFFFF0] =	vst v0  }
0x1d: {  	s17 =	simm.s32 $0x0;
	[tilespmem:s16+$0xFFFFFFE0] =	vst v0  }
.LBB2_2:
0x1e: {  	s17 =	sadd.s32 $0x80, s17;
	[tilespmem:s16+$0xFFFFFFD0] =	vst v0;
	s16 =	sadd.s32 $0x80, s16  }
0x1f: {  	[tilespmem:s16+$0xFFFFFFC0] =	vst v0;
	p0 =	slt.u32 s17, $0x7F80  }
0x20: {  	[tilespmem:s16+$0x30] =	vst v0  }
.Ltmp2:
0x21: {  	[tilespmem:s16+$0x20] =	vst v0;
	(pc) =	sbr.rel @p0 .LBB2_2-.Ltmp2, $4  }
0x22: {  	[tilespmem:s16+$0x10] =	vst v0  }
0x23: {  	[tilespmem:s16+$0x0] =	vst v0  }
0x24: {  	[tilespmem:s16+$0xFFFFFFF0] =	vst v0  }
0x25: {  	[tilespmem:s16+$0xFFFFFFE0] =	vst v0  }
0x26: {  	[tilespmem:s16+$0xFFFFFFD0] =	vst v0  }
0x27: {  	[tilespmem:s8], [sflag:$0x1] =	stream.linear.gather [hbm4b:s3+s2], $0x800, $0x38;
	[tilespmem:$0x9000] =	vst v63  }
0x28: {  	s16 =	simm.s32 $0xFFFFE200  }
0x29: {  	[tilespmem:s9], [sflag:$0x2] =	stream.linear.gather [hbm4b:s4+s2], $0x800, $0x38;
	[tilespmem:$0x9000] =	vst v63  }
.LBB2_4:
0x2a: {  	_ =	swait.ge [sflag:s10], $0x800  }
0x2b: {  	[sflag:s10] =	ssyncset.done $0x0  }
0x2c: {  	[sflag:s10] =	ssyncadd.s32 $0xFFFFF800  }
0x2d: {  	v2 =	vld [tilespmem:$0x8000];
	_ =	sdelay $0x2  }
0x2e: {  	v3 =	vld [tilespmem:$0x8010];
	_ =	sdelay $0x1  }
0x2f: {  	v5 =	vld [tilespmem:$0x8020];
	v4 =	vand.u32 $0xFFFF, v2  }
0x30: {  	v7 =	vld [tilespmem:$0x8030];
	v2 =	vshra.s32 v2, $0x10  }
0x31: {  	v37 =	vld [tilespmem:$0x8040]  }
0x32: {  	v38 =	vld [tilespmem:$0x8050];
	v6 =	vand.u32 $0xFFFF, v3  }
0x33: {  	v40 =	vld [tilespmem:$0x8060];
	v3 =	vshra.s32 v3, $0x10  }
0x34: {  	[tilespmem:v4+s2+$0x0] =	vst.idx.add.f32.msk $0xffff, v1  }
0x35: {  	[tilespmem:v2+s2+$0x0] =	vst.idx.add.f32.msk $0xffff, v1;
	v2 =	vand.u32 $0xFFFF, v5  }
0x36: {  	v8 =	vld [tilespmem:$0x8070]  }
0x37: {  	[tilespmem:v6+s2+$0x0] =	vst.idx.add.f32.msk $0xffff, v1  }
0x38: {  	[tilespmem:v3+s2+$0x0] =	vst.idx.add.f32.msk $0xffff, v1;
	v3 =	vand.u32 $0xFFFF, v7  }
0x39: {  	v43 =	vld [tilespmem:$0x8400]  }
0x3a: {  	[tilespmem:v2+s2+$0x0] =	vst.idx.add.f32.msk $0xffff, v1;
	v2 =	vshra.s32 v7, $0x10  }
0x3b: {  	v45 =	vld [tilespmem:$0x8410]  }
0x3c: {  	v47 =	vld [tilespmem:$0x8420];
	v39 =	vand.u32 $0xFFFF, v37  }
0x3d: {  	[tilespmem:v3+s2+$0x0] =	vst.idx.add.f32.msk $0xffff, v1;
	v3 =	vshra.s32 v37, $0x10  }
0x3e: {  	v49 =	vld [tilespmem:$0x8430];
	v41 =	vand.u32 $0xFFFF, v38  }
0x3f: {  	[tilespmem:v2+s2+$0x0] =	vst.idx.add.f32.msk $0xffff, v1;
	v2 =	vshra.s32 v38, $0x10  }
0x40: {  	v50 =	vld [tilespmem:$0x8440]  }
0x41: {  	v42 =	vand.u32 $0xFFFF, v40;
	[tilespmem:v39+s2+$0x0] =	vst.idx.add.f32.msk $0xffff, v1  }
0x42: {  	[tilespmem:v3+s2+$0x0] =	vst.idx.add.f32.msk $0xffff, v1;
	v3 =	vshra.s32 v40, $0x10  }
0x43: {  	v44 =	vand.u32 $0xFFFF, v8;
	[tilespmem:v41+s2+$0x0] =	vst.idx.add.f32.msk $0xffff, v1  }
0x44: {  	[tilespmem:v2+s2+$0x0] =	vst.idx.add.f32.msk $0xffff, v1;
	v2 =	vshra.s32 v8, $0x10  }
0x45: {  	v53 =	vld [tilespmem:$0x8460]  }
0x46: {  	v46 =	vand.u32 $0xFFFF, v43;
	[tilespmem:v42+s2+$0x0] =	vst.idx.add.f32.msk $0xffff, v1  }
0x47: {  	[tilespmem:v3+s2+$0x0] =	vst.idx.add.f32.msk $0xffff, v1;
	v3 =	vshra.s32 v43, $0x10  }
0x48: {  	[tilespmem:v44+s2+$0x0] =	vst.idx.add.f32.msk $0xffff, v1  }
0x49: {  	[tilespmem:v2+s2+$0x0] =	vst.idx.add.f32.msk $0xffff, v1;
	v2 =	vand.u32 $0xFFFF, v45  }
0x4a: {  	v9 =	vld [tilespmem:$0x8470]  }
0x4b: {  	v52 =	vand.u32 $0xFFFF, v49;
	[tilespmem:v46+s2+$0x0] =	vst.idx.add.f32.msk $0xffff, v1  }
0x4c: {  	[tilespmem:v3+s2+$0x0] =	vst.idx.add.f32.msk $0xffff, v1;
	v3 =	vand.u32 $0xFFFF, v47  }
0x4d: {  	v51 =	vld [tilespmem:$0x8450];
	v55 =	vand.u32 $0xFFFF, v53  }
0x4e: {  	[tilespmem:v2+s2+$0x0] =	vst.idx.add.f32.msk $0xffff, v1;
	v2 =	vshra.s32 v47, $0x10  }
0x4f: {  	v56 =	vand.u32 $0xFFFF, v9  }
0x50: {  	v6 =	vshra.s32 v49, $0x10;
	[tilespmem:v52+s2+$0x0] =	vst.idx.add.f32.msk $0xffff, v1  }
0x51: {  	[tilespmem:v3+s2+$0x0] =	vst.idx.add.f32.msk $0xffff, v1;
	v3 =	vand.u32 $0xFFFF, v50  }
0x52: {  	v36 =	vshra.s32 v5, $0x10;
	[tilespmem:v55+s2+$0x0] =	vst.idx.add.f32.msk $0xffff, v1  }
0x53: {  	[tilespmem:v2+s2+$0x0] =	vst.idx.add.f32.msk $0xffff, v1;
	v2 =	vand.u32 $0xFFFF, v51  }
0x54: {  	v48 =	vshra.s32 v45, $0x10;
	[tilespmem:v56+s2+$0x0] =	vst.idx.add.f32.msk $0xffff, v1  }
0x55: {  	[tilespmem:v6+s2+$0x0] =	vst.idx.add.f32.msk $0xffff, v1;
	v7 =	vshra.s32 v50, $0x10  }
0x56: {  	[tilespmem:v3+s2+$0x0] =	vst.idx.add.f32.msk $0xffff, v1;
	v3 =	vshra.s32 v53, $0x10  }
0x57: {  	v54 =	vshra.s32 v51, $0x10;
	[tilespmem:v36+s2+$0x0] =	vst.idx.add.f32.msk $0xffff, v1  }
0x58: {  	[tilespmem:v2+s2+$0x0] =	vst.idx.add.f32.msk $0xffff, v1;
	v2 =	vshra.s32 v9, $0x10  }
0x59: {  	[tilespmem:v48+s2+$0x0] =	vst.idx.add.f32.msk $0xffff, v1  }
0x5a: {  	[tilespmem:v7+s2+$0x0] =	vst.idx.add.f32.msk $0xffff, v1  }
0x5b: {  	[tilespmem:v3+s2+$0x0] =	vst.idx.add.f32.msk $0xffff, v1  }
0x5c: {  	[tilespmem:v54+s2+$0x0] =	vst.idx.add.f32.msk $0xffff, v1  }
0x5d: {  	[tilespmem:v2+s2+$0x0] =	vst.idx.add.f32.msk $0xffff, v1  }
0x5e: {  	v2 =	vld [tilespmem:$0x8080];
	_ =	sdelay $0x2  }
0x5f: {  	v3 =	vld [tilespmem:$0x8090];
	_ =	sdelay $0x1  }
0x60: {  	v5 =	vld [tilespmem:$0x80A0];
	v57 =	vand.u32 $0xFFFF, v2  }
0x61: {  	v7 =	vld [tilespmem:$0x80B0];
	v2 =	vshra.s32 v2, $0x10  }
0x62: {  	v60 =	vld [tilespmem:$0x80C0]  }
0x63: {  	v61 =	vld [tilespmem:$0x80D0];
	v58 =	vand.u32 $0xFFFF, v3  }
0x64: {  	v63 =	vld [tilespmem:$0x80E0];
	v3 =	vshra.s32 v3, $0x10  }
0x65: {  	[tilespmem:v57+s2+$0x0] =	vst.idx.add.f32.msk $0xffff, v1  }
0x66: {  	[tilespmem:v2+s2+$0x0] =	vst.idx.add.f32.msk $0xffff, v1;
	v2 =	vand.u32 $0xFFFF, v5  }
0x67: {  	v13 =	vld [tilespmem:$0x80F0]  }
0x68: {  	[tilespmem:v58+s2+$0x0] =	vst.idx.add.f32.msk $0xffff, v1  }
0x69: {  	[tilespmem:v3+s2+$0x0] =	vst.idx.add.f32.msk $0xffff, v1;
	v3 =	vand.u32 $0xFFFF, v7  }
0x6a: {  	v15 =	vld [tilespmem:$0x8480]  }
0x6b: {  	[tilespmem:v2+s2+$0x0] =	vst.idx.add.f32.msk $0xffff, v1;
	v2 =	vshra.s32 v7, $0x10  }
0x6c: {  	v17 =	vld [tilespmem:$0x8490]  }
0x6d: {  	v19 =	vld [tilespmem:$0x84A0];
	v62 =	vand.u32 $0xFFFF, v60  }
0x6e: {  	[tilespmem:v3+s2+$0x0] =	vst.idx.add.f32.msk $0xffff, v1;
	v3 =	vshra.s32 v60, $0x10  }
0x6f: {  	v21 =	vld [tilespmem:$0x84B0];
	v12 =	vand.u32 $0xFFFF, v61  }
0x70: {  	[tilespmem:v2+s2+$0x0] =	vst.idx.add.f32.msk $0xffff, v1;
	v2 =	vshra.s32 v61, $0x10  }
0x71: {  	v22 =	vld [tilespmem:$0x84C0]  }
0x72: {  	v14 =	vand.u32 $0xFFFF, v63;
	[tilespmem:v62+s2+$0x0] =	vst.idx.add.f32.msk $0xffff, v1  }
0x73: {  	[tilespmem:v3+s2+$0x0] =	vst.idx.add.f32.msk $0xffff, v1;
	v3 =	vshra.s32 v63, $0x10  }
0x74: {  	v16 =	vand.u32 $0xFFFF, v13;
	[tilespmem:v12+s2+$0x0] =	vst.idx.add.f32.msk $0xffff, v1  }
0x75: {  	[tilespmem:v2+s2+$0x0] =	vst.idx.add.f32.msk $0xffff, v1;
	v2 =	vshra.s32 v13, $0x10  }
0x76: {  	v25 =	vld [tilespmem:$0x84E0]  }
0x77: {  	v18 =	vand.u32 $0xFFFF, v15;
	[tilespmem:v14+s2+$0x0] =	vst.idx.add.f32.msk $0xffff, v1  }
0x78: {  	[tilespmem:v3+s2+$0x0] =	vst.idx.add.f32.msk $0xffff, v1;
	v3 =	vshra.s32 v15, $0x10  }
0x79: {  	[tilespmem:v16+s2+$0x0] =	vst.idx.add.f32.msk $0xffff, v1  }
0x7a: {  	[tilespmem:v2+s2+$0x0] =	vst.idx.add.f32.msk $0xffff, v1;
	v2 =	vand.u32 $0xFFFF, v17  }
0x7b: {  	v26 =	vld [tilespmem:$0x84F0]  }
0x7c: {  	v24 =	vand.u32 $0xFFFF, v21;
	[tilespmem:v18+s2+$0x0] =	vst.idx.add.f32.msk $0xffff, v1  }
0x7d: {  	[tilespmem:v3+s2+$0x0] =	vst.idx.add.f32.msk $0xffff, v1;
	v3 =	vand.u32 $0xFFFF, v19  }
0x7e: {  	v23 =	vld [tilespmem:$0x84D0];
	v28 =	vand.u32 $0xFFFF, v25  }
0x7f: {  	[tilespmem:v2+s2+$0x0] =	vst.idx.add.f32.msk $0xffff, v1;
	v2 =	vshra.s32 v19, $0x10  }
0x80: {  	v29 =	vand.u32 $0xFFFF, v26  }
0x81: {  	v6 =	vshra.s32 v21, $0x10;
	[tilespmem:v24+s2+$0x0] =	vst.idx.add.f32.msk $0xffff, v1  }
0x82: {  	[tilespmem:v3+s2+$0x0] =	vst.idx.add.f32.msk $0xffff, v1;
	v3 =	vand.u32 $0xFFFF, v22  }
0x83: {  	v59 =	vshra.s32 v5, $0x10;
	[tilespmem:v28+s2+$0x0] =	vst.idx.add.f32.msk $0xffff, v1  }
0x84: {  	[tilespmem:v2+s2+$0x0] =	vst.idx.add.f32.msk $0xffff, v1;
	v2 =	vand.u32 $0xFFFF, v23  }
0x85: {  	v20 =	vshra.s32 v17, $0x10;
	[tilespmem:v29+s2+$0x0] =	vst.idx.add.f32.msk $0xffff, v1  }
0x86: {  	[tilespmem:v6+s2+$0x0] =	vst.idx.add.f32.msk $0xffff, v1;
	v7 =	vshra.s32 v22, $0x10  }
0x87: {  	[tilespmem:v3+s2+$0x0] =	vst.idx.add.f32.msk $0xffff, v1;
	v3 =	vshra.s32 v25, $0x10  }
0x88: {  	v27 =	vshra.s32 v23, $0x10;
	[tilespmem:v59+s2+$0x0] =	vst.idx.add.f32.msk $0xffff, v1  }
0x89: {  	[tilespmem:v2+s2+$0x0] =	vst.idx.add.f32.msk $0xffff, v1;
	v2 =	vshra.s32 v26, $0x10  }
0x8a: {  	[tilespmem:v20+s2+$0x0] =	vst.idx.add.f32.msk $0xffff, v1  }
0x8b: {  	[tilespmem:v7+s2+$0x0] =	vst.idx.add.f32.msk $0xffff, v1  }
0x8c: {  	[tilespmem:v3+s2+$0x0] =	vst.idx.add.f32.msk $0xffff, v1  }
0x8d: {  	[tilespmem:v27+s2+$0x0] =	vst.idx.add.f32.msk $0xffff, v1  }
0x8e: {  	[tilespmem:v2+s2+$0x0] =	vst.idx.add.f32.msk $0xffff, v1  }
0x8f: {  	v2 =	vld [tilespmem:$0x8100];
	_ =	sdelay $0x2  }
0x90: {  	v3 =	vld [tilespmem:$0x8110];
	_ =	sdelay $0x1  }
0x91: {  	v5 =	vld [tilespmem:$0x8120];
	v30 =	vand.u32 $0xFFFF, v2  }
0x92: {  	v7 =	vld [tilespmem:$0x8130];
	v2 =	vshra.s32 v2, $0x10  }
0x93: {  	v33 =	vld [tilespmem:$0x8140]  }
0x94: {  	v34 =	vld [tilespmem:$0x8150];
	v31 =	vand.u32 $0xFFFF, v3  }
0x95: {  	v36 =	vld [tilespmem:$0x8160];
	v3 =	vshra.s32 v3, $0x10  }
0x96: {  	[tilespmem:v30+s2+$0x0] =	vst.idx.add.f32.msk $0xffff, v1  }
0x97: {  	[tilespmem:v2+s2+$0x0] =	vst.idx.add.f32.msk $0xffff, v1;
	v2 =	vand.u32 $0xFFFF, v5  }
0x98: {  	v38 =	vld [tilespmem:$0x8170]  }
0x99: {  	[tilespmem:v31+s2+$0x0] =	vst.idx.add.f32.msk $0xffff, v1  }
0x9a: {  	[tilespmem:v3+s2+$0x0] =	vst.idx.add.f32.msk $0xffff, v1;
	v3 =	vand.u32 $0xFFFF, v7  }
0x9b: {  	v40 =	vld [tilespmem:$0x8500]  }
0x9c: {  	[tilespmem:v2+s2+$0x0] =	vst.idx.add.f32.msk $0xffff, v1;
	v2 =	vshra.s32 v7, $0x10  }
0x9d: {  	v42 =	vld [tilespmem:$0x8510]  }
0x9e: {  	v44 =	vld [tilespmem:$0x8520];
	v35 =	vand.u32 $0xFFFF, v33  }
0x9f: {  	[tilespmem:v3+s2+$0x0] =	vst.idx.add.f32.msk $0xffff, v1;
	v3 =	vshra.s32 v33, $0x10  }
0xa0: {  	v46 =	vld [tilespmem:$0x8530];
	v37 =	vand.u32 $0xFFFF, v34  }
0xa1: {  	[tilespmem:v2+s2+$0x0] =	vst.idx.add.f32.msk $0xffff, v1;
	v2 =	vshra.s32 v34, $0x10  }
0xa2: {  	v47 =	vld [tilespmem:$0x8540]  }
0xa3: {  	v39 =	vand.u32 $0xFFFF, v36;
	[tilespmem:v35+s2+$0x0] =	vst.idx.add.f32.msk $0xffff, v1  }
0xa4: {  	[tilespmem:v3+s2+$0x0] =	vst.idx.add.f32.msk $0xffff, v1;
	v3 =	vshra.s32 v36, $0x10  }
0xa5: {  	v41 =	vand.u32 $0xFFFF, v38;
	[tilespmem:v37+s2+$0x0] =	vst.idx.add.f32.msk $0xffff, v1  }
0xa6: {  	[tilespmem:v2+s2+$0x0] =	vst.idx.add.f32.msk $0xffff, v1;
	v2 =	vshra.s32 v38, $0x10  }
0xa7: {  	v50 =	vld [tilespmem:$0x8560]  }
0xa8: {  	v43 =	vand.u32 $0xFFFF, v40;
	[tilespmem:v39+s2+$0x0] =	vst.idx.add.f32.msk $0xffff, v1  }
0xa9: {  	[tilespmem:v3+s2+$0x0] =	vst.idx.add.f32.msk $0xffff, v1;
	v3 =	vshra.s32 v40, $0x10  }
0xaa: {  	[tilespmem:v41+s2+$0x0] =	vst.idx.add.f32.msk $0xffff, v1  }
0xab: {  	[tilespmem:v2+s2+$0x0] =	vst.idx.add.f32.msk $0xffff, v1;
	v2 =	vand.u32 $0xFFFF, v42  }
0xac: {  	v51 =	vld [tilespmem:$0x8570]  }
0xad: {  	v49 =	vand.u32 $0xFFFF, v46;
	[tilespmem:v43+s2+$0x0] =	vst.idx.add.f32.msk $0xffff, v1  }
0xae: {  	[tilespmem:v3+s2+$0x0] =	vst.idx.add.f32.msk $0xffff, v1;
	v3 =	vand.u32 $0xFFFF, v44  }
0xaf: {  	v48 =	vld [tilespmem:$0x8550];
	v53 =	vand.u32 $0xFFFF, v50  }
0xb0: {  	[tilespmem:v2+s2+$0x0] =	vst.idx.add.f32.msk $0xffff, v1;
	v2 =	vshra.s32 v44, $0x10  }
0xb1: {  	v54 =	vand.u32 $0xFFFF, v51  }
0xb2: {  	v6 =	vshra.s32 v46, $0x10;
	[tilespmem:v49+s2+$0x0] =	vst.idx.add.f32.msk $0xffff, v1  }
0xb3: {  	[tilespmem:v3+s2+$0x0] =	vst.idx.add.f32.msk $0xffff, v1;
	v3 =	vand.u32 $0xFFFF, v47  }
0xb4: {  	v32 =	vshra.s32 v5, $0x10;
	[tilespmem:v53+s2+$0x0] =	vst.idx.add.f32.msk $0xffff, v1  }
0xb5: {  	[tilespmem:v2+s2+$0x0] =	vst.idx.add.f32.msk $0xffff, v1;
	v2 =	vand.u32 $0xFFFF, v48  }
0xb6: {  	v45 =	vshra.s32 v42, $0x10;
	[tilespmem:v54+s2+$0x0] =	vst.idx.add.f32.msk $0xffff, v1  }
0xb7: {  	[tilespmem:v6+s2+$0x0] =	vst.idx.add.f32.msk $0xffff, v1;
	v7 =	vshra.s32 v47, $0x10  }
0xb8: {  	[tilespmem:v3+s2+$0x0] =	vst.idx.add.f32.msk $0xffff, v1;
	v3 =	vshra.s32 v50, $0x10  }
0xb9: {  	v52 =	vshra.s32 v48, $0x10;
	[tilespmem:v32+s2+$0x0] =	vst.idx.add.f32.msk $0xffff, v1  }
0xba: {  	[tilespmem:v2+s2+$0x0] =	vst.idx.add.f32.msk $0xffff, v1;
	v2 =	vshra.s32 v51, $0x10  }
0xbb: {  	[tilespmem:v45+s2+$0x0] =	vst.idx.add.f32.msk $0xffff, v1  }
0xbc: {  	[tilespmem:v7+s2+$0x0] =	vst.idx.add.f32.msk $0xffff, v1  }
0xbd: {  	[tilespmem:v3+s2+$0x0] =	vst.idx.add.f32.msk $0xffff, v1  }
0xbe: {  	[tilespmem:v52+s2+$0x0] =	vst.idx.add.f32.msk $0xffff, v1  }
0xbf: {  	[tilespmem:v2+s2+$0x0] =	vst.idx.add.f32.msk $0xffff, v1  }
0xc0: {  	v2 =	vld [tilespmem:$0x8180];
	_ =	sdelay $0x2  }
0xc1: {  	v3 =	vld [tilespmem:$0x8190];
	_ =	sdelay $0x1  }
0xc2: {  	v5 =	vld [tilespmem:$0x81A0];
	v55 =	vand.u32 $0xFFFF, v2  }
0xc3: {  	v7 =	vld [tilespmem:$0x81B0];
	v2 =	vshra.s32 v2, $0x10  }
0xc4: {  	v58 =	vld [tilespmem:$0x81C0]  }
0xc5: {  	v59 =	vld [tilespmem:$0x81D0];
	v56 =	vand.u32 $0xFFFF, v3  }
0xc6: {  	v61 =	vld [tilespmem:$0x81E0];
	v3 =	vshra.s32 v3, $0x10  }
0xc7: {  	[tilespmem:v55+s2+$0x0] =	vst.idx.add.f32.msk $0xffff, v1  }
0xc8: {  	[tilespmem:v2+s2+$0x0] =	vst.idx.add.f32.msk $0xffff, v1;
	v2 =	vand.u32 $0xFFFF, v5  }
0xc9: {  	v63 =	vld [tilespmem:$0x81F0]  }
0xca: {  	[tilespmem:v56+s2+$0x0] =	vst.idx.add.f32.msk $0xffff, v1  }
0xcb: {  	[tilespmem:v3+s2+$0x0] =	vst.idx.add.f32.msk $0xffff, v1;
	v3 =	vand.u32 $0xFFFF, v7  }
0xcc: {  	v12 =	vld [tilespmem:$0x8580]  }
0xcd: {  	[tilespmem:v2+s2+$0x0] =	vst.idx.add.f32.msk $0xffff, v1;
	v2 =	vshra.s32 v7, $0x10  }
0xce: {  	v14 =	vld [tilespmem:$0x8590]  }
0xcf: {  	v16 =	vld [tilespmem:$0x85A0];
	v60 =	vand.u32 $0xFFFF, v58  }
0xd0: {  	[tilespmem:v3+s2+$0x0] =	vst.idx.add.f32.msk $0xffff, v1;
	v3 =	vshra.s32 v58, $0x10  }
0xd1: {  	v18 =	vld [tilespmem:$0x85B0];
	v62 =	vand.u32 $0xFFFF, v59  }
0xd2: {  	[tilespmem:v2+s2+$0x0] =	vst.idx.add.f32.msk $0xffff, v1;
	v2 =	vshra.s32 v59, $0x10  }
0xd3: {  	v19 =	vld [tilespmem:$0x85C0]  }
0xd4: {  	v11 =	vand.u32 $0xFFFF, v61;
	[tilespmem:v60+s2+$0x0] =	vst.idx.add.f32.msk $0xffff, v1  }
0xd5: {  	[tilespmem:v3+s2+$0x0] =	vst.idx.add.f32.msk $0xffff, v1;
	v3 =	vshra.s32 v61, $0x10  }
0xd6: {  	v13 =	vand.u32 $0xFFFF, v63;
	[tilespmem:v62+s2+$0x0] =	vst.idx.add.f32.msk $0xffff, v1  }
0xd7: {  	[tilespmem:v2+s2+$0x0] =	vst.idx.add.f32.msk $0xffff, v1;
	v2 =	vshra.s32 v63, $0x10  }
0xd8: {  	v22 =	vld [tilespmem:$0x85E0]  }
0xd9: {  	v15 =	vand.u32 $0xFFFF, v12;
	[tilespmem:v11+s2+$0x0] =	vst.idx.add.f32.msk $0xffff, v1  }
0xda: {  	[tilespmem:v3+s2+$0x0] =	vst.idx.add.f32.msk $0xffff, v1;
	v3 =	vshra.s32 v12, $0x10  }
0xdb: {  	[tilespmem:v13+s2+$0x0] =	vst.idx.add.f32.msk $0xffff, v1  }
0xdc: {  	[tilespmem:v2+s2+$0x0] =	vst.idx.add.f32.msk $0xffff, v1;
	v2 =	vand.u32 $0xFFFF, v14  }
0xdd: {  	v23 =	vld [tilespmem:$0x85F0]  }
0xde: {  	v21 =	vand.u32 $0xFFFF, v18;
	[tilespmem:v15+s2+$0x0] =	vst.idx.add.f32.msk $0xffff, v1  }
0xdf: {  	[tilespmem:v3+s2+$0x0] =	vst.idx.add.f32.msk $0xffff, v1;
	v3 =	vand.u32 $0xFFFF, v16  }
0xe0: {  	v20 =	vld [tilespmem:$0x85D0];
	v25 =	vand.u32 $0xFFFF, v22  }
0xe1: {  	[tilespmem:v2+s2+$0x0] =	vst.idx.add.f32.msk $0xffff, v1;
	v2 =	vshra.s32 v16, $0x10  }
0xe2: {  	v26 =	vand.u32 $0xFFFF, v23  }
0xe3: {  	v6 =	vshra.s32 v18, $0x10;
	[tilespmem:v21+s2+$0x0] =	vst.idx.add.f32.msk $0xffff, v1  }
0xe4: {  	[tilespmem:v3+s2+$0x0] =	vst.idx.add.f32.msk $0xffff, v1;
	v3 =	vand.u32 $0xFFFF, v19  }
0xe5: {  	v57 =	vshra.s32 v5, $0x10;
	[tilespmem:v25+s2+$0x0] =	vst.idx.add.f32.msk $0xffff, v1  }
0xe6: {  	[tilespmem:v2+s2+$0x0] =	vst.idx.add.f32.msk $0xffff, v1;
	v2 =	vand.u32 $0xFFFF, v20  }
0xe7: {  	v17 =	vshra.s32 v14, $0x10;
	[tilespmem:v26+s2+$0x0] =	vst.idx.add.f32.msk $0xffff, v1  }
0xe8: {  	[tilespmem:v6+s2+$0x0] =	vst.idx.add.f32.msk $0xffff, v1;
	v7 =	vshra.s32 v19, $0x10  }
0xe9: {  	[tilespmem:v3+s2+$0x0] =	vst.idx.add.f32.msk $0xffff, v1;
	v3 =	vshra.s32 v22, $0x10  }
0xea: {  	v24 =	vshra.s32 v20, $0x10;
	[tilespmem:v57+s2+$0x0] =	vst.idx.add.f32.msk $0xffff, v1  }
0xeb: {  	[tilespmem:v2+s2+$0x0] =	vst.idx.add.f32.msk $0xffff, v1;
	v2 =	vshra.s32 v23, $0x10  }
0xec: {  	[tilespmem:v17+s2+$0x0] =	vst.idx.add.f32.msk $0xffff, v1  }
0xed: {  	[tilespmem:v7+s2+$0x0] =	vst.idx.add.f32.msk $0xffff, v1  }
0xee: {  	[tilespmem:v3+s2+$0x0] =	vst.idx.add.f32.msk $0xffff, v1  }
0xef: {  	[tilespmem:v24+s2+$0x0] =	vst.idx.add.f32.msk $0xffff, v1  }
0xf0: {  	[tilespmem:v2+s2+$0x0] =	vst.idx.add.f32.msk $0xffff, v1  }
0xf1: {  	v2 =	vld [tilespmem:$0x8200];
	_ =	sdelay $0x2  }
0xf2: {  	v3 =	vld [tilespmem:$0x8210];
	_ =	sdelay $0x1  }
0xf3: {  	v5 =	vld [tilespmem:$0x8220];
	v27 =	vand.u32 $0xFFFF, v2  }
0xf4: {  	v7 =	vld [tilespmem:$0x8230];
	v2 =	vshra.s32 v2, $0x10  }
0xf5: {  	v30 =	vld [tilespmem:$0x8240]  }
0xf6: {  	v31 =	vld [tilespmem:$0x8250];
	v28 =	vand.u32 $0xFFFF, v3  }
0xf7: {  	v33 =	vld [tilespmem:$0x8260];
	v3 =	vshra.s32 v3, $0x10  }
0xf8: {  	[tilespmem:v27+s2+$0x0] =	vst.idx.add.f32.msk $0xffff, v1  }
0xf9: {  	[tilespmem:v2+s2+$0x0] =	vst.idx.add.f32.msk $0xffff, v1;
	v2 =	vand.u32 $0xFFFF, v5  }
0xfa: {  	v35 =	vld [tilespmem:$0x8270]  }
0xfb: {  	[tilespmem:v28+s2+$0x0] =	vst.idx.add.f32.msk $0xffff, v1  }
0xfc: {  	[tilespmem:v3+s2+$0x0] =	vst.idx.add.f32.msk $0xffff, v1;
	v3 =	vand.u32 $0xFFFF, v7  }
0xfd: {  	v37 =	vld [tilespmem:$0x8600]  }
0xfe: {  	[tilespmem:v2+s2+$0x0] =	vst.idx.add.f32.msk $0xffff, v1;
	v2 =	vshra.s32 v7, $0x10  }
0xff: {  	v39 =	vld [tilespmem:$0x8610]  }
0x100: {  	v41 =	vld [tilespmem:$0x8620];
	v32 =	vand.u32 $0xFFFF, v30  }
0x101: {  	[tilespmem:v3+s2+$0x0] =	vst.idx.add.f32.msk $0xffff, v1;
	v3 =	vshra.s32 v30, $0x10  }
0x102: {  	v43 =	vld [tilespmem:$0x8630];
	v34 =	vand.u32 $0xFFFF, v31  }
0x103: {  	[tilespmem:v2+s2+$0x0] =	vst.idx.add.f32.msk $0xffff, v1;
	v2 =	vshra.s32 v31, $0x10  }
0x104: {  	v44 =	vld [tilespmem:$0x8640]  }
0x105: {  	v36 =	vand.u32 $0xFFFF, v33;
	[tilespmem:v32+s2+$0x0] =	vst.idx.add.f32.msk $0xffff, v1  }
0x106: {  	[tilespmem:v3+s2+$0x0] =	vst.idx.add.f32.msk $0xffff, v1;
	v3 =	vshra.s32 v33, $0x10  }
0x107: {  	v38 =	vand.u32 $0xFFFF, v35;
	[tilespmem:v34+s2+$0x0] =	vst.idx.add.f32.msk $0xffff, v1  }
0x108: {  	[tilespmem:v2+s2+$0x0] =	vst.idx.add.f32.msk $0xffff, v1;
	v2 =	vshra.s32 v35, $0x10  }
0x109: {  	v47 =	vld [tilespmem:$0x8660]  }
0x10a: {  	v40 =	vand.u32 $0xFFFF, v37;
	[tilespmem:v36+s2+$0x0] =	vst.idx.add.f32.msk $0xffff, v1  }
0x10b: {  	[tilespmem:v3+s2+$0x0] =	vst.idx.add.f32.msk $0xffff, v1;
	v3 =	vshra.s32 v37, $0x10  }
0x10c: {  	[tilespmem:v38+s2+$0x0] =	vst.idx.add.f32.msk $0xffff, v1  }
0x10d: {  	[tilespmem:v2+s2+$0x0] =	vst.idx.add.f32.msk $0xffff, v1;
	v2 =	vand.u32 $0xFFFF, v39  }
0x10e: {  	v48 =	vld [tilespmem:$0x8670]  }
0x10f: {  	v46 =	vand.u32 $0xFFFF, v43;
	[tilespmem:v40+s2+$0x0] =	vst.idx.add.f32.msk $0xffff, v1  }
0x110: {  	[tilespmem:v3+s2+$0x0] =	vst.idx.add.f32.msk $0xffff, v1;
	v3 =	vand.u32 $0xFFFF, v41  }
0x111: {  	v45 =	vld [tilespmem:$0x8650];
	v50 =	vand.u32 $0xFFFF, v47  }
0x112: {  	[tilespmem:v2+s2+$0x0] =	vst.idx.add.f32.msk $0xffff, v1;
	v2 =	vshra.s32 v41, $0x10  }
0x113: {  	v51 =	vand.u32 $0xFFFF, v48  }
0x114: {  	v6 =	vshra.s32 v43, $0x10;
	[tilespmem:v46+s2+$0x0] =	vst.idx.add.f32.msk $0xffff, v1  }
0x115: {  	[tilespmem:v3+s2+$0x0] =	vst.idx.add.f32.msk $0xffff, v1;
	v3 =	vand.u32 $0xFFFF, v44  }
0x116: {  	v29 =	vshra.s32 v5, $0x10;
	[tilespmem:v50+s2+$0x0] =	vst.idx.add.f32.msk $0xffff, v1  }
0x117: {  	[tilespmem:v2+s2+$0x0] =	vst.idx.add.f32.msk $0xffff, v1;
	v2 =	vand.u32 $0xFFFF, v45  }
0x118: {  	v42 =	vshra.s32 v39, $0x10;
	[tilespmem:v51+s2+$0x0] =	vst.idx.add.f32.msk $0xffff, v1  }
0x119: {  	[tilespmem:v6+s2+$0x0] =	vst.idx.add.f32.msk $0xffff, v1;
	v7 =	vshra.s32 v44, $0x10  }
0x11a: {  	[tilespmem:v3+s2+$0x0] =	vst.idx.add.f32.msk $0xffff, v1;
	v3 =	vshra.s32 v47, $0x10  }
0x11b: {  	v49 =	vshra.s32 v45, $0x10;
	[tilespmem:v29+s2+$0x0] =	vst.idx.add.f32.msk $0xffff, v1  }
0x11c: {  	[tilespmem:v2+s2+$0x0] =	vst.idx.add.f32.msk $0xffff, v1;
	v2 =	vshra.s32 v48, $0x10  }
0x11d: {  	[tilespmem:v42+s2+$0x0] =	vst.idx.add.f32.msk $0xffff, v1  }
0x11e: {  	[tilespmem:v7+s2+$0x0] =	vst.idx.add.f32.msk $0xffff, v1  }
0x11f: {  	[tilespmem:v3+s2+$0x0] =	vst.idx.add.f32.msk $0xffff, v1  }
0x120: {  	[tilespmem:v49+s2+$0x0] =	vst.idx.add.f32.msk $0xffff, v1  }
0x121: {  	[tilespmem:v2+s2+$0x0] =	vst.idx.add.f32.msk $0xffff, v1  }
0x122: {  	v2 =	vld [tilespmem:$0x8280]  }
0x123: {  	v3 =	vld [tilespmem:$0x8290];
	_ =	sdelay $0x2  }
0x124: {  	v5 =	vld [tilespmem:$0x82A0]  }
0x125: {  	v7 =	vld [tilespmem:$0x82B0];
	v52 =	vand.u32 $0xFFFF, v2  }
0x126: {  	v55 =	vld [tilespmem:$0x82C0];
	v53 =	vand.u32 $0xFFFF, v3  }
0x127: {  	v57 =	vld [tilespmem:$0x82D0];
	v2 =	vshra.s32 v2, $0x10  }
0x128: {  	v58 =	vld [tilespmem:$0x82E0];
	v3 =	vshra.s32 v3, $0x10  }
0x129: {  	v59 =	vld [tilespmem:$0x82F0]  }
0x12a: {  	v54 =	vand.u32 $0xFFFF, v5;
	[tilespmem:v52+s2+$0x0] =	vst.idx.add.f32.msk $0xffff, v1  }
0x12b: {  	v56 =	vand.u32 $0xFFFF, v7;
	[tilespmem:v53+s2+$0x0] =	vst.idx.add.f32.msk $0xffff, v1  }
0x12c: {  	[tilespmem:v2+s2+$0x0] =	vst.idx.add.f32.msk $0xffff, v1;
	v2 =	vshra.s32 v5, $0x10  }
0x12d: {  	[tilespmem:v3+s2+$0x0] =	vst.idx.add.f32.msk $0xffff, v1;
	v3 =	vshra.s32 v7, $0x10  }
0x12e: {  	v62 =	vld [tilespmem:$0x8690]  }
0x12f: {  	[tilespmem:v54+s2+$0x0] =	vst.idx.add.f32.msk $0xffff, v1  }
0x130: {  	[tilespmem:v56+s2+$0x0] =	vst.idx.add.f32.msk $0xffff, v1  }
0x131: {  	[tilespmem:v2+s2+$0x0] =	vst.idx.add.f32.msk $0xffff, v1;
	v2 =	vand.u32 $0xFFFF, v55  }
0x132: {  	[tilespmem:v3+s2+$0x0] =	vst.idx.add.f32.msk $0xffff, v1;
	v3 =	vand.u32 $0xFFFF, v57;
	_ =	sdelay $0x1  }
0x133: {  	v61 =	vand.u32 $0xFFFF, v58  }
0x134: {  	v60 =	vld [tilespmem:$0x8680];
	v10 =	vand.u32 $0xFFFF, v62  }
0x135: {  	[tilespmem:v2+s2+$0x0] =	vst.idx.add.f32.msk $0xffff, v1;
	v2 =	vshra.s32 v57, $0x10  }
0x136: {  	[tilespmem:v3+s2+$0x0] =	vst.idx.add.f32.msk $0xffff, v1;
	v3 =	vand.u32 $0xFFFF, v59  }
0x137: {  	v63 =	vld [tilespmem:$0x86A0];
	v6 =	vshra.s32 v58, $0x10  }
0x138: {  	[tilespmem:v61+s2+$0x0] =	vst.idx.add.f32.msk $0xffff, v1;
	v5 =	vshra.s32 v55, $0x10  }
0x139: {  	[tilespmem:v10+s2+$0x0] =	vst.idx.add.f32.msk $0xffff, v1;
	v7 =	vshra.s32 v59, $0x10  }
0x13a: {  	[tilespmem:v2+s2+$0x0] =	vst.idx.add.f32.msk $0xffff, v1;
	v2 =	vand.u32 $0xFFFF, v60  }
0x13b: {  	[tilespmem:v3+s2+$0x0] =	vst.idx.add.f32.msk $0xffff, v1;
	v3 =	vshra.s32 v62, $0x10  }
0x13c: {  	v4 =	vshra.s32 v60, $0x10;
	[tilespmem:v6+s2+$0x0] =	vst.idx.add.f32.msk $0xffff, v1  }
0x13d: {  	v11 =	vand.u32 $0xFFFF, v63;
	[tilespmem:v5+s2+$0x0] =	vst.idx.add.f32.msk $0xffff, v1  }
0x13e: {  	[tilespmem:v7+s2+$0x0] =	vst.idx.add.f32.msk $0xffff, v1  }
0x13f: {  	[tilespmem:v2+s2+$0x0] =	vst.idx.add.f32.msk $0xffff, v1  }
0x140: {  	[tilespmem:v3+s2+$0x0] =	vst.idx.add.f32.msk $0xffff, v1  }
0x141: {  	[tilespmem:v4+s2+$0x0] =	vst.idx.add.f32.msk $0xffff, v1  }
0x142: {  	[tilespmem:v11+s2+$0x0] =	vst.idx.add.f32.msk $0xffff, v1  }
0x143: {  	v2 =	vld [tilespmem:$0x86B0]  }
0x144: {  	v3 =	vld [tilespmem:$0x86C0];
	_ =	sdelay $0x3  }
0x145: {  	v13 =	vld [tilespmem:$0x86D0];
	v14 =	vand.u32 $0xFFFF, v2  }
0x146: {  	v16 =	vand.u32 $0xFFFF, v3  }
0x147: {  	v15 =	vld [tilespmem:$0x86E0];
	v2 =	vshra.s32 v2, $0x10  }
0x148: {  	v17 =	vld [tilespmem:$0x86F0];
	v3 =	vshra.s32 v3, $0x10  }
0x149: {  	v12 =	vshra.s32 v63, $0x10  }
0x14a: {  	v18 =	vand.u32 $0xFFFF, v13;
	[tilespmem:v14+s2+$0x0] =	vst.idx.add.f32.msk $0xffff, v1  }
0x14b: {  	v5 =	vshra.s32 v13, $0x10;
	[tilespmem:v16+s2+$0x0] =	vst.idx.add.f32.msk $0xffff, v1  }
0x14c: {  	[tilespmem:v2+s2+$0x0] =	vst.idx.add.f32.msk $0xffff, v1;
	v2 =	vand.u32 $0xFFFF, v15  }
0x14d: {  	[tilespmem:v3+s2+$0x0] =	vst.idx.add.f32.msk $0xffff, v1;
	v3 =	vand.u32 $0xFFFF, v17  }
0x14e: {  	[tilespmem:v12+s2+$0x0] =	vst.idx.add.f32.msk $0xffff, v1;
	v19 =	vshra.s32 v15, $0x10  }
0x14f: {  	v20 =	vshra.s32 v17, $0x10;
	[tilespmem:v18+s2+$0x0] =	vst.idx.add.f32.msk $0xffff, v1  }
0x150: {  	[tilespmem:v5+s2+$0x0] =	vst.idx.add.f32.msk $0xffff, v1  }
0x151: {  	[tilespmem:v2+s2+$0x0] =	vst.idx.add.f32.msk $0xffff, v1  }
0x152: {  	[tilespmem:v3+s2+$0x0] =	vst.idx.add.f32.msk $0xffff, v1  }
0x153: {  	[tilespmem:v19+s2+$0x0] =	vst.idx.add.f32.msk $0xffff, v1  }
0x154: {  	[tilespmem:v20+s2+$0x0] =	vst.idx.add.f32.msk $0xffff, v1  }
0x155: {  	v2 =	vld [tilespmem:$0x8300];
	_ =	sdelay $0x2  }
0x156: {  	v3 =	vld [tilespmem:$0x8310];
	_ =	sdelay $0x1  }
0x157: {  	v5 =	vld [tilespmem:$0x8320];
	v21 =	vand.u32 $0xFFFF, v2  }
0x158: {  	v23 =	vld [tilespmem:$0x8330];
	v2 =	vshra.s32 v2, $0x10  }
0x159: {  	v25 =	vld [tilespmem:$0x8340]  }
0x15a: {  	v26 =	vld [tilespmem:$0x8350];
	v22 =	vand.u32 $0xFFFF, v3  }
0x15b: {  	v28 =	vld [tilespmem:$0x8360];
	v3 =	vshra.s32 v3, $0x10  }
0x15c: {  	[tilespmem:v21+s2+$0x0] =	vst.idx.add.f32.msk $0xffff, v1  }
0x15d: {  	[tilespmem:v2+s2+$0x0] =	vst.idx.add.f32.msk $0xffff, v1;
	v2 =	vand.u32 $0xFFFF, v5  }
0x15e: {  	v8 =	vld [tilespmem:$0x8370]  }
0x15f: {  	[tilespmem:v22+s2+$0x0] =	vst.idx.add.f32.msk $0xffff, v1  }
0x160: {  	[tilespmem:v3+s2+$0x0] =	vst.idx.add.f32.msk $0xffff, v1;
	v3 =	vand.u32 $0xFFFF, v23  }
0x161: {  	v31 =	vld [tilespmem:$0x8700]  }
0x162: {  	[tilespmem:v2+s2+$0x0] =	vst.idx.add.f32.msk $0xffff, v1;
	v2 =	vshra.s32 v23, $0x10  }
0x163: {  	v33 =	vld [tilespmem:$0x8710]  }
0x164: {  	v35 =	vld [tilespmem:$0x8720];
	v27 =	vand.u32 $0xFFFF, v25  }
0x165: {  	[tilespmem:v3+s2+$0x0] =	vst.idx.add.f32.msk $0xffff, v1;
	v3 =	vshra.s32 v25, $0x10  }
0x166: {  	v37 =	vld [tilespmem:$0x8730];
	v29 =	vand.u32 $0xFFFF, v26  }
0x167: {  	[tilespmem:v2+s2+$0x0] =	vst.idx.add.f32.msk $0xffff, v1;
	v2 =	vshra.s32 v26, $0x10  }
0x168: {  	v38 =	vld [tilespmem:$0x8740]  }
0x169: {  	v30 =	vand.u32 $0xFFFF, v28;
	[tilespmem:v27+s2+$0x0] =	vst.idx.add.f32.msk $0xffff, v1  }
0x16a: {  	[tilespmem:v3+s2+$0x0] =	vst.idx.add.f32.msk $0xffff, v1;
	v3 =	vshra.s32 v28, $0x10  }
0x16b: {  	v32 =	vand.u32 $0xFFFF, v8;
	[tilespmem:v29+s2+$0x0] =	vst.idx.add.f32.msk $0xffff, v1  }
0x16c: {  	[tilespmem:v2+s2+$0x0] =	vst.idx.add.f32.msk $0xffff, v1;
	v2 =	vshra.s32 v8, $0x10  }
0x16d: {  	v41 =	vld [tilespmem:$0x8760]  }
0x16e: {  	v34 =	vand.u32 $0xFFFF, v31;
	[tilespmem:v30+s2+$0x0] =	vst.idx.add.f32.msk $0xffff, v1  }
0x16f: {  	[tilespmem:v3+s2+$0x0] =	vst.idx.add.f32.msk $0xffff, v1;
	v3 =	vshra.s32 v31, $0x10  }
0x170: {  	[tilespmem:v32+s2+$0x0] =	vst.idx.add.f32.msk $0xffff, v1  }
0x171: {  	[tilespmem:v2+s2+$0x0] =	vst.idx.add.f32.msk $0xffff, v1;
	v2 =	vand.u32 $0xFFFF, v33  }
0x172: {  	v42 =	vld [tilespmem:$0x8770]  }
0x173: {  	v40 =	vand.u32 $0xFFFF, v37;
	[tilespmem:v34+s2+$0x0] =	vst.idx.add.f32.msk $0xffff, v1  }
0x174: {  	[tilespmem:v3+s2+$0x0] =	vst.idx.add.f32.msk $0xffff, v1;
	v3 =	vand.u32 $0xFFFF, v35  }
0x175: {  	v39 =	vld [tilespmem:$0x8750];
	v44 =	vand.u32 $0xFFFF, v41  }
0x176: {  	[tilespmem:v2+s2+$0x0] =	vst.idx.add.f32.msk $0xffff, v1;
	v2 =	vshra.s32 v35, $0x10  }
0x177: {  	v45 =	vand.u32 $0xFFFF, v42  }
0x178: {  	v6 =	vshra.s32 v37, $0x10;
	[tilespmem:v40+s2+$0x0] =	vst.idx.add.f32.msk $0xffff, v1  }
0x179: {  	[tilespmem:v3+s2+$0x0] =	vst.idx.add.f32.msk $0xffff, v1;
	v3 =	vand.u32 $0xFFFF, v38  }
0x17a: {  	v24 =	vshra.s32 v5, $0x10;
	[tilespmem:v44+s2+$0x0] =	vst.idx.add.f32.msk $0xffff, v1  }
0x17b: {  	[tilespmem:v2+s2+$0x0] =	vst.idx.add.f32.msk $0xffff, v1;
	v2 =	vand.u32 $0xFFFF, v39  }
0x17c: {  	v36 =	vshra.s32 v33, $0x10;
	[tilespmem:v45+s2+$0x0] =	vst.idx.add.f32.msk $0xffff, v1  }
0x17d: {  	v7 =	vshra.s32 v38, $0x10;
	[tilespmem:v6+s2+$0x0] =	vst.idx.add.f32.msk $0xffff, v1  }
0x17e: {  	[tilespmem:v3+s2+$0x0] =	vst.idx.add.f32.msk $0xffff, v1;
	v3 =	vshra.s32 v41, $0x10  }
0x17f: {  	v43 =	vshra.s32 v39, $0x10;
	[tilespmem:v24+s2+$0x0] =	vst.idx.add.f32.msk $0xffff, v1  }
0x180: {  	[tilespmem:v2+s2+$0x0] =	vst.idx.add.f32.msk $0xffff, v1;
	v2 =	vshra.s32 v42, $0x10  }
0x181: {  	[tilespmem:v36+s2+$0x0] =	vst.idx.add.f32.msk $0xffff, v1  }
0x182: {  	[tilespmem:v7+s2+$0x0] =	vst.idx.add.f32.msk $0xffff, v1  }
0x183: {  	[tilespmem:v3+s2+$0x0] =	vst.idx.add.f32.msk $0xffff, v1  }
0x184: {  	[tilespmem:v43+s2+$0x0] =	vst.idx.add.f32.msk $0xffff, v1  }
0x185: {  	[tilespmem:v2+s2+$0x0] =	vst.idx.add.f32.msk $0xffff, v1  }
0x186: {  	v2 =	vld [tilespmem:$0x8380];
	_ =	sdelay $0x2  }
0x187: {  	v3 =	vld [tilespmem:$0x8390];
	_ =	sdelay $0x1  }
0x188: {  	v5 =	vld [tilespmem:$0x83A0];
	v46 =	vand.u32 $0xFFFF, v2  }
0x189: {  	v7 =	vld [tilespmem:$0x83B0];
	v2 =	vshra.s32 v2, $0x10  }
0x18a: {  	v49 =	vld [tilespmem:$0x83C0]  }
0x18b: {  	v50 =	vld [tilespmem:$0x83D0];
	v47 =	vand.u32 $0xFFFF, v3  }
0x18c: {  	v52 =	vld [tilespmem:$0x83E0];
	v3 =	vshra.s32 v3, $0x10  }
0x18d: {  	[tilespmem:v46+s2+$0x0] =	vst.idx.add.f32.msk $0xffff, v1  }
0x18e: {  	[tilespmem:v2+s2+$0x0] =	vst.idx.add.f32.msk $0xffff, v1;
	v2 =	vand.u32 $0xFFFF, v5  }
0x18f: {  	v54 =	vld [tilespmem:$0x83F0]  }
0x190: {  	[tilespmem:v47+s2+$0x0] =	vst.idx.add.f32.msk $0xffff, v1  }
0x191: {  	[tilespmem:v3+s2+$0x0] =	vst.idx.add.f32.msk $0xffff, v1;
	v3 =	vand.u32 $0xFFFF, v7  }
0x192: {  	v56 =	vld [tilespmem:$0x8780]  }
0x193: {  	[tilespmem:v2+s2+$0x0] =	vst.idx.add.f32.msk $0xffff, v1;
	v2 =	vshra.s32 v7, $0x10  }
0x194: {  	v58 =	vld [tilespmem:$0x8790]  }
0x195: {  	v60 =	vld [tilespmem:$0x87A0];
	v51 =	vand.u32 $0xFFFF, v49  }
0x196: {  	[tilespmem:v3+s2+$0x0] =	vst.idx.add.f32.msk $0xffff, v1;
	v3 =	vshra.s32 v49, $0x10  }
0x197: {  	v62 =	vld [tilespmem:$0x87B0];
	v53 =	vand.u32 $0xFFFF, v50  }
0x198: {  	[tilespmem:v2+s2+$0x0] =	vst.idx.add.f32.msk $0xffff, v1;
	v2 =	vshra.s32 v50, $0x10  }
0x199: {  	v63 =	vld [tilespmem:$0x87C0]  }
0x19a: {  	v55 =	vand.u32 $0xFFFF, v52;
	[tilespmem:v51+s2+$0x0] =	vst.idx.add.f32.msk $0xffff, v1  }
0x19b: {  	[tilespmem:v3+s2+$0x0] =	vst.idx.add.f32.msk $0xffff, v1;
	v3 =	vshra.s32 v52, $0x10  }
0x19c: {  	v57 =	vand.u32 $0xFFFF, v54;
	[tilespmem:v53+s2+$0x0] =	vst.idx.add.f32.msk $0xffff, v1  }
0x19d: {  	[tilespmem:v2+s2+$0x0] =	vst.idx.add.f32.msk $0xffff, v1;
	v2 =	vshra.s32 v54, $0x10  }
0x19e: {  	v14 =	vld [tilespmem:$0x87E0]  }
0x19f: {  	v59 =	vand.u32 $0xFFFF, v56;
	[tilespmem:v55+s2+$0x0] =	vst.idx.add.f32.msk $0xffff, v1  }
0x1a0: {  	[tilespmem:v3+s2+$0x0] =	vst.idx.add.f32.msk $0xffff, v1;
	v3 =	vshra.s32 v56, $0x10  }
0x1a1: {  	[tilespmem:v57+s2+$0x0] =	vst.idx.add.f32.msk $0xffff, v1  }
0x1a2: {  	[tilespmem:v2+s2+$0x0] =	vst.idx.add.f32.msk $0xffff, v1;
	v2 =	vand.u32 $0xFFFF, v58  }
0x1a3: {  	v15 =	vld [tilespmem:$0x87F0]  }
0x1a4: {  	v13 =	vand.u32 $0xFFFF, v62;
	[tilespmem:v59+s2+$0x0] =	vst.idx.add.f32.msk $0xffff, v1  }
0x1a5: {  	[tilespmem:v3+s2+$0x0] =	vst.idx.add.f32.msk $0xffff, v1;
	v3 =	vand.u32 $0xFFFF, v60  }
0x1a6: {  	v12 =	vld [tilespmem:$0x87D0];
	v17 =	vand.u32 $0xFFFF, v14  }
0x1a7: {  	[tilespmem:v2+s2+$0x0] =	vst.idx.add.f32.msk $0xffff, v1;
	v2 =	vshra.s32 v60, $0x10  }
0x1a8: {  	v18 =	vand.u32 $0xFFFF, v15  }
0x1a9: {  	v6 =	vshra.s32 v62, $0x10;
	[tilespmem:v13+s2+$0x0] =	vst.idx.add.f32.msk $0xffff, v1  }
0x1aa: {  	[tilespmem:v3+s2+$0x0] =	vst.idx.add.f32.msk $0xffff, v1;
	v3 =	vand.u32 $0xFFFF, v63  }
0x1ab: {  	v48 =	vshra.s32 v5, $0x10;
	[tilespmem:v17+s2+$0x0] =	vst.idx.add.f32.msk $0xffff, v1  }
0x1ac: {  	[tilespmem:v2+s2+$0x0] =	vst.idx.add.f32.msk $0xffff, v1;
	v2 =	vand.u32 $0xFFFF, v12  }
0x1ad: {  	v61 =	vshra.s32 v58, $0x10;
	[tilespmem:v18+s2+$0x0] =	vst.idx.add.f32.msk $0xffff, v1  }
0x1ae: {  	[tilespmem:v6+s2+$0x0] =	vst.idx.add.f32.msk $0xffff, v1;
	v7 =	vshra.s32 v63, $0x10  }
0x1af: {  	[tilespmem:v3+s2+$0x0] =	vst.idx.add.f32.msk $0xffff, v1;
	v3 =	vshra.s32 v14, $0x10  }
0x1b0: {  	v16 =	vshra.s32 v12, $0x10;
	[tilespmem:v48+s2+$0x0] =	vst.idx.add.f32.msk $0xffff, v1  }
0x1b1: {  	[tilespmem:v2+s2+$0x0] =	vst.idx.add.f32.msk $0xffff, v1;
	v2 =	vshra.s32 v15, $0x10  }
0x1b2: {  	[tilespmem:v61+s2+$0x0] =	vst.idx.add.f32.msk $0xffff, v1  }
0x1b3: {  	[tilespmem:v7+s2+$0x0] =	vst.idx.add.f32.msk $0xffff, v1  }
0x1b4: {  	p0 =	seq.s32 s16, $0x0;
	[tilespmem:v3+s2+$0x0] =	vst.idx.add.f32.msk $0xffff, v1  }
0x1b5: {  	s17 =	sadd.s32 @!p0 s16, s7;
	[tilespmem:v16+s2+$0x0] =	vst.idx.add.f32.msk $0xffff, v1  }
0x1b6: {  	s18 =	simm.s32 @!p0 $0x0;
	s19 =	simm.s32 @!p0 $0x8000;
	s17 =	sadd.s32 @!p0 $0x2000, s17;
	[tilespmem:v2+s2+$0x0] =	vst.idx.add.f32.msk $0xffff, v1  }
0x1b7: {  	[tilespmem:s19], [sflag:$0x1] =	stream.linear.gather @!p0 [hbm4b:s17+s18], $0x800, $0x38;
	[tilespmem:$0x9000] =	vst v63  }
0x1b8: {  	_ =	swait.ge [sflag:s11], $0x800  }
0x1b9: {  	[sflag:s11] =	ssyncset.done $0x0  }
0x1ba: {  	[sflag:s11] =	ssyncadd.s32 $0xFFFFF800  }
0x1bb: {  	v2 =	vld [tilespmem:$0x8800];
	_ =	sdelay $0x2  }
0x1bc: {  	v3 =	vld [tilespmem:$0x8810];
	_ =	sdelay $0x1  }
0x1bd: {  	v20 =	vld [tilespmem:$0x8820];
	v19 =	vand.u32 $0xFFFF, v2  }
0x1be: {  	v22 =	vld [tilespmem:$0x8830];
	v2 =	vshra.s32 v2, $0x10  }
0x1bf: {  	v24 =	vld [tilespmem:$0x8840]  }
0x1c0: {  	v25 =	vld [tilespmem:$0x8850];
	v21 =	vand.u32 $0xFFFF, v3  }
0x1c1: {  	v27 =	vld [tilespmem:$0x8860];
	v3 =	vshra.s32 v3, $0x10  }
0x1c2: {  	[tilespmem:v19+s2+$0x0] =	vst.idx.add.f32.msk $0xffff, v1  }
0x1c3: {  	[tilespmem:v2+s2+$0x0] =	vst.idx.add.f32.msk $0xffff, v1;
	v2 =	vand.u32 $0xFFFF, v20  }
0x1c4: {  	v29 =	vld [tilespmem:$0x8870]  }
0x1c5: {  	[tilespmem:v21+s2+$0x0] =	vst.idx.add.f32.msk $0xffff, v1  }
0x1c6: {  	[tilespmem:v3+s2+$0x0] =	vst.idx.add.f32.msk $0xffff, v1;
	v3 =	vand.u32 $0xFFFF, v22  }
0x1c7: {  	v31 =	vld [tilespmem:$0x8C00]  }
0x1c8: {  	[tilespmem:v2+s2+$0x0] =	vst.idx.add.f32.msk $0xffff, v1;
	v2 =	vshra.s32 v22, $0x10  }
0x1c9: {  	v33 =	vld [tilespmem:$0x8C10]  }
0x1ca: {  	v35 =	vld [tilespmem:$0x8C20];
	v26 =	vand.u32 $0xFFFF, v24  }
0x1cb: {  	[tilespmem:v3+s2+$0x0] =	vst.idx.add.f32.msk $0xffff, v1;
	v3 =	vshra.s32 v24, $0x10  }
0x1cc: {  	v37 =	vld [tilespmem:$0x8C30];
	v28 =	vand.u32 $0xFFFF, v25  }
0x1cd: {  	[tilespmem:v2+s2+$0x0] =	vst.idx.add.f32.msk $0xffff, v1;
	v2 =	vshra.s32 v25, $0x10  }
0x1ce: {  	v38 =	vld [tilespmem:$0x8C40]  }
0x1cf: {  	v30 =	vand.u32 $0xFFFF, v27;
	[tilespmem:v26+s2+$0x0] =	vst.idx.add.f32.msk $0xffff, v1  }
0x1d0: {  	[tilespmem:v3+s2+$0x0] =	vst.idx.add.f32.msk $0xffff, v1;
	v3 =	vshra.s32 v27, $0x10  }
0x1d1: {  	v32 =	vand.u32 $0xFFFF, v29;
	[tilespmem:v28+s2+$0x0] =	vst.idx.add.f32.msk $0xffff, v1  }
0x1d2: {  	[tilespmem:v2+s2+$0x0] =	vst.idx.add.f32.msk $0xffff, v1;
	v2 =	vshra.s32 v29, $0x10  }
0x1d3: {  	v41 =	vld [tilespmem:$0x8C60]  }
0x1d4: {  	v34 =	vand.u32 $0xFFFF, v31;
	[tilespmem:v30+s2+$0x0] =	vst.idx.add.f32.msk $0xffff, v1  }
0x1d5: {  	[tilespmem:v3+s2+$0x0] =	vst.idx.add.f32.msk $0xffff, v1;
	v3 =	vshra.s32 v31, $0x10  }
0x1d6: {  	[tilespmem:v32+s2+$0x0] =	vst.idx.add.f32.msk $0xffff, v1  }
0x1d7: {  	[tilespmem:v2+s2+$0x0] =	vst.idx.add.f32.msk $0xffff, v1;
	v2 =	vand.u32 $0xFFFF, v33  }
0x1d8: {  	v42 =	vld [tilespmem:$0x8C70]  }
0x1d9: {  	v40 =	vand.u32 $0xFFFF, v37;
	[tilespmem:v34+s2+$0x0] =	vst.idx.add.f32.msk $0xffff, v1  }
0x1da: {  	[tilespmem:v3+s2+$0x0] =	vst.idx.add.f32.msk $0xffff, v1;
	v3 =	vand.u32 $0xFFFF, v35  }
0x1db: {  	v39 =	vld [tilespmem:$0x8C50];
	v44 =	vand.u32 $0xFFFF, v41  }
0x1dc: {  	[tilespmem:v2+s2+$0x0] =	vst.idx.add.f32.msk $0xffff, v1;
	v2 =	vshra.s32 v35, $0x10  }
0x1dd: {  	v45 =	vand.u32 $0xFFFF, v42  }
0x1de: {  	v6 =	vshra.s32 v37, $0x10;
	[tilespmem:v40+s2+$0x0] =	vst.idx.add.f32.msk $0xffff, v1  }
0x1df: {  	[tilespmem:v3+s2+$0x0] =	vst.idx.add.f32.msk $0xffff, v1;
	v3 =	vand.u32 $0xFFFF, v38  }
0x1e0: {  	v23 =	vshra.s32 v20, $0x10;
	[tilespmem:v44+s2+$0x0] =	vst.idx.add.f32.msk $0xffff, v1  }
0x1e1: {  	[tilespmem:v2+s2+$0x0] =	vst.idx.add.f32.msk $0xffff, v1;
	v2 =	vand.u32 $0xFFFF, v39  }
0x1e2: {  	v36 =	vshra.s32 v33, $0x10;
	[tilespmem:v45+s2+$0x0] =	vst.idx.add.f32.msk $0xffff, v1  }
0x1e3: {  	v7 =	vshra.s32 v38, $0x10;
	[tilespmem:v6+s2+$0x0] =	vst.idx.add.f32.msk $0xffff, v1  }
0x1e4: {  	[tilespmem:v3+s2+$0x0] =	vst.idx.add.f32.msk $0xffff, v1;
	v3 =	vshra.s32 v41, $0x10  }
0x1e5: {  	v43 =	vshra.s32 v39, $0x10;
	[tilespmem:v23+s2+$0x0] =	vst.idx.add.f32.msk $0xffff, v1  }
0x1e6: {  	[tilespmem:v2+s2+$0x0] =	vst.idx.add.f32.msk $0xffff, v1;
	v2 =	vshra.s32 v42, $0x10  }
0x1e7: {  	[tilespmem:v36+s2+$0x0] =	vst.idx.add.f32.msk $0xffff, v1  }
0x1e8: {  	[tilespmem:v7+s2+$0x0] =	vst.idx.add.f32.msk $0xffff, v1  }
0x1e9: {  	[tilespmem:v3+s2+$0x0] =	vst.idx.add.f32.msk $0xffff, v1  }
0x1ea: {  	[tilespmem:v43+s2+$0x0] =	vst.idx.add.f32.msk $0xffff, v1  }
0x1eb: {  	[tilespmem:v2+s2+$0x0] =	vst.idx.add.f32.msk $0xffff, v1  }
0x1ec: {  	v2 =	vld [tilespmem:$0x8880];
	_ =	sdelay $0x2  }
0x1ed: {  	v3 =	vld [tilespmem:$0x8890];
	_ =	sdelay $0x1  }
0x1ee: {  	v5 =	vld [tilespmem:$0x88A0];
	v46 =	vand.u32 $0xFFFF, v2  }
0x1ef: {  	v7 =	vld [tilespmem:$0x88B0];
	v2 =	vshra.s32 v2, $0x10  }
0x1f0: {  	v49 =	vld [tilespmem:$0x88C0]  }
0x1f1: {  	v50 =	vld [tilespmem:$0x88D0];
	v47 =	vand.u32 $0xFFFF, v3  }
0x1f2: {  	v52 =	vld [tilespmem:$0x88E0];
	v3 =	vshra.s32 v3, $0x10  }
0x1f3: {  	[tilespmem:v46+s2+$0x0] =	vst.idx.add.f32.msk $0xffff, v1  }
0x1f4: {  	[tilespmem:v2+s2+$0x0] =	vst.idx.add.f32.msk $0xffff, v1;
	v2 =	vand.u32 $0xFFFF, v5  }
0x1f5: {  	v54 =	vld [tilespmem:$0x88F0]  }
0x1f6: {  	[tilespmem:v47+s2+$0x0] =	vst.idx.add.f32.msk $0xffff, v1  }
0x1f7: {  	[tilespmem:v3+s2+$0x0] =	vst.idx.add.f32.msk $0xffff, v1;
	v3 =	vand.u32 $0xFFFF, v7  }
0x1f8: {  	v56 =	vld [tilespmem:$0x8C80]  }
0x1f9: {  	[tilespmem:v2+s2+$0x0] =	vst.idx.add.f32.msk $0xffff, v1;
	v2 =	vshra.s32 v7, $0x10  }
0x1fa: {  	v58 =	vld [tilespmem:$0x8C90]  }
0x1fb: {  	v60 =	vld [tilespmem:$0x8CA0];
	v51 =	vand.u32 $0xFFFF, v49  }
0x1fc: {  	[tilespmem:v3+s2+$0x0] =	vst.idx.add.f32.msk $0xffff, v1;
	v3 =	vshra.s32 v49, $0x10  }
0x1fd: {  	v62 =	vld [tilespmem:$0x8CB0];
	v53 =	vand.u32 $0xFFFF, v50  }
0x1fe: {  	[tilespmem:v2+s2+$0x0] =	vst.idx.add.f32.msk $0xffff, v1;
	v2 =	vshra.s32 v50, $0x10  }
0x1ff: {  	v63 =	vld [tilespmem:$0x8CC0]  }
0x200: {  	v55 =	vand.u32 $0xFFFF, v52;
	[tilespmem:v51+s2+$0x0] =	vst.idx.add.f32.msk $0xffff, v1  }
0x201: {  	[tilespmem:v3+s2+$0x0] =	vst.idx.add.f32.msk $0xffff, v1;
	v3 =	vshra.s32 v52, $0x10  }
0x202: {  	v57 =	vand.u32 $0xFFFF, v54;
	[tilespmem:v53+s2+$0x0] =	vst.idx.add.f32.msk $0xffff, v1  }
0x203: {  	[tilespmem:v2+s2+$0x0] =	vst.idx.add.f32.msk $0xffff, v1;
	v2 =	vshra.s32 v54, $0x10  }
0x204: {  	v14 =	vld [tilespmem:$0x8CE0]  }
0x205: {  	v59 =	vand.u32 $0xFFFF, v56;
	[tilespmem:v55+s2+$0x0] =	vst.idx.add.f32.msk $0xffff, v1  }
0x206: {  	[tilespmem:v3+s2+$0x0] =	vst.idx.add.f32.msk $0xffff, v1;
	v3 =	vshra.s32 v56, $0x10  }
0x207: {  	[tilespmem:v57+s2+$0x0] =	vst.idx.add.f32.msk $0xffff, v1  }
0x208: {  	[tilespmem:v2+s2+$0x0] =	vst.idx.add.f32.msk $0xffff, v1;
	v2 =	vand.u32 $0xFFFF, v58  }
0x209: {  	v15 =	vld [tilespmem:$0x8CF0]  }
0x20a: {  	v13 =	vand.u32 $0xFFFF, v62;
	[tilespmem:v59+s2+$0x0] =	vst.idx.add.f32.msk $0xffff, v1  }
0x20b: {  	[tilespmem:v3+s2+$0x0] =	vst.idx.add.f32.msk $0xffff, v1;
	v3 =	vand.u32 $0xFFFF, v60  }
0x20c: {  	v12 =	vld [tilespmem:$0x8CD0];
	v17 =	vand.u32 $0xFFFF, v14  }
0x20d: {  	[tilespmem:v2+s2+$0x0] =	vst.idx.add.f32.msk $0xffff, v1;
	v2 =	vshra.s32 v60, $0x10  }
0x20e: {  	v18 =	vand.u32 $0xFFFF, v15  }
0x20f: {  	v6 =	vshra.s32 v62, $0x10;
	[tilespmem:v13+s2+$0x0] =	vst.idx.add.f32.msk $0xffff, v1  }
0x210: {  	[tilespmem:v3+s2+$0x0] =	vst.idx.add.f32.msk $0xffff, v1;
	v3 =	vand.u32 $0xFFFF, v63  }
0x211: {  	v48 =	vshra.s32 v5, $0x10;
	[tilespmem:v17+s2+$0x0] =	vst.idx.add.f32.msk $0xffff, v1  }
0x212: {  	[tilespmem:v2+s2+$0x0] =	vst.idx.add.f32.msk $0xffff, v1;
	v2 =	vand.u32 $0xFFFF, v12  }
0x213: {  	v61 =	vshra.s32 v58, $0x10;
	[tilespmem:v18+s2+$0x0] =	vst.idx.add.f32.msk $0xffff, v1  }
0x214: {  	[tilespmem:v6+s2+$0x0] =	vst.idx.add.f32.msk $0xffff, v1;
	v7 =	vshra.s32 v63, $0x10  }
0x215: {  	[tilespmem:v3+s2+$0x0] =	vst.idx.add.f32.msk $0xffff, v1;
	v3 =	vshra.s32 v14, $0x10  }
0x216: {  	v16 =	vshra.s32 v12, $0x10;
	[tilespmem:v48+s2+$0x0] =	vst.idx.add.f32.msk $0xffff, v1  }
0x217: {  	[tilespmem:v2+s2+$0x0] =	vst.idx.add.f32.msk $0xffff, v1;
	v2 =	vshra.s32 v15, $0x10  }
0x218: {  	[tilespmem:v61+s2+$0x0] =	vst.idx.add.f32.msk $0xffff, v1  }
0x219: {  	[tilespmem:v7+s2+$0x0] =	vst.idx.add.f32.msk $0xffff, v1  }
0x21a: {  	[tilespmem:v3+s2+$0x0] =	vst.idx.add.f32.msk $0xffff, v1  }
0x21b: {  	[tilespmem:v16+s2+$0x0] =	vst.idx.add.f32.msk $0xffff, v1  }
0x21c: {  	[tilespmem:v2+s2+$0x0] =	vst.idx.add.f32.msk $0xffff, v1  }
0x21d: {  	v2 =	vld [tilespmem:$0x8900];
	_ =	sdelay $0x2  }
0x21e: {  	v3 =	vld [tilespmem:$0x8910];
	_ =	sdelay $0x1  }
0x21f: {  	v5 =	vld [tilespmem:$0x8920];
	v19 =	vand.u32 $0xFFFF, v2  }
0x220: {  	v7 =	vld [tilespmem:$0x8930];
	v2 =	vshra.s32 v2, $0x10  }
0x221: {  	v22 =	vld [tilespmem:$0x8940]  }
0x222: {  	v23 =	vld [tilespmem:$0x8950];
	v20 =	vand.u32 $0xFFFF, v3  }
0x223: {  	v25 =	vld [tilespmem:$0x8960];
	v3 =	vshra.s32 v3, $0x10  }
0x224: {  	[tilespmem:v19+s2+$0x0] =	vst.idx.add.f32.msk $0xffff, v1  }
0x225: {  	[tilespmem:v2+s2+$0x0] =	vst.idx.add.f32.msk $0xffff, v1;
	v2 =	vand.u32 $0xFFFF, v5  }
0x226: {  	v27 =	vld [tilespmem:$0x8970]  }
0x227: {  	[tilespmem:v20+s2+$0x0] =	vst.idx.add.f32.msk $0xffff, v1  }
0x228: {  	[tilespmem:v3+s2+$0x0] =	vst.idx.add.f32.msk $0xffff, v1;
	v3 =	vand.u32 $0xFFFF, v7  }
0x229: {  	v29 =	vld [tilespmem:$0x8D00]  }
0x22a: {  	[tilespmem:v2+s2+$0x0] =	vst.idx.add.f32.msk $0xffff, v1;
	v2 =	vshra.s32 v7, $0x10  }
0x22b: {  	v31 =	vld [tilespmem:$0x8D10]  }
0x22c: {  	v33 =	vld [tilespmem:$0x8D20];
	v24 =	vand.u32 $0xFFFF, v22  }
0x22d: {  	[tilespmem:v3+s2+$0x0] =	vst.idx.add.f32.msk $0xffff, v1;
	v3 =	vshra.s32 v22, $0x10  }
0x22e: {  	v35 =	vld [tilespmem:$0x8D30];
	v26 =	vand.u32 $0xFFFF, v23  }
0x22f: {  	[tilespmem:v2+s2+$0x0] =	vst.idx.add.f32.msk $0xffff, v1;
	v2 =	vshra.s32 v23, $0x10  }
0x230: {  	v36 =	vld [tilespmem:$0x8D40]  }
0x231: {  	v28 =	vand.u32 $0xFFFF, v25;
	[tilespmem:v24+s2+$0x0] =	vst.idx.add.f32.msk $0xffff, v1  }
0x232: {  	[tilespmem:v3+s2+$0x0] =	vst.idx.add.f32.msk $0xffff, v1;
	v3 =	vshra.s32 v25, $0x10  }
0x233: {  	v30 =	vand.u32 $0xFFFF, v27;
	[tilespmem:v26+s2+$0x0] =	vst.idx.add.f32.msk $0xffff, v1  }
0x234: {  	[tilespmem:v2+s2+$0x0] =	vst.idx.add.f32.msk $0xffff, v1;
	v2 =	vshra.s32 v27, $0x10  }
0x235: {  	v39 =	vld [tilespmem:$0x8D60]  }
0x236: {  	v32 =	vand.u32 $0xFFFF, v29;
	[tilespmem:v28+s2+$0x0] =	vst.idx.add.f32.msk $0xffff, v1  }
0x237: {  	[tilespmem:v3+s2+$0x0] =	vst.idx.add.f32.msk $0xffff, v1;
	v3 =	vshra.s32 v29, $0x10  }
0x238: {  	[tilespmem:v30+s2+$0x0] =	vst.idx.add.f32.msk $0xffff, v1  }
0x239: {  	[tilespmem:v2+s2+$0x0] =	vst.idx.add.f32.msk $0xffff, v1;
	v2 =	vand.u32 $0xFFFF, v31  }
0x23a: {  	v40 =	vld [tilespmem:$0x8D70]  }
0x23b: {  	v38 =	vand.u32 $0xFFFF, v35;
	[tilespmem:v32+s2+$0x0] =	vst.idx.add.f32.msk $0xffff, v1  }
0x23c: {  	[tilespmem:v3+s2+$0x0] =	vst.idx.add.f32.msk $0xffff, v1;
	v3 =	vand.u32 $0xFFFF, v33  }
0x23d: {  	v37 =	vld [tilespmem:$0x8D50];
	v42 =	vand.u32 $0xFFFF, v39  }
0x23e: {  	[tilespmem:v2+s2+$0x0] =	vst.idx.add.f32.msk $0xffff, v1;
	v2 =	vshra.s32 v33, $0x10  }
0x23f: {  	v43 =	vand.u32 $0xFFFF, v40  }
0x240: {  	v6 =	vshra.s32 v35, $0x10;
	[tilespmem:v38+s2+$0x0] =	vst.idx.add.f32.msk $0xffff, v1  }
0x241: {  	[tilespmem:v3+s2+$0x0] =	vst.idx.add.f32.msk $0xffff, v1;
	v3 =	vand.u32 $0xFFFF, v36  }
0x242: {  	v21 =	vshra.s32 v5, $0x10;
	[tilespmem:v42+s2+$0x0] =	vst.idx.add.f32.msk $0xffff, v1  }
0x243: {  	[tilespmem:v2+s2+$0x0] =	vst.idx.add.f32.msk $0xffff, v1;
	v2 =	vand.u32 $0xFFFF, v37  }
0x244: {  	v34 =	vshra.s32 v31, $0x10;
	[tilespmem:v43+s2+$0x0] =	vst.idx.add.f32.msk $0xffff, v1  }
0x245: {  	[tilespmem:v6+s2+$0x0] =	vst.idx.add.f32.msk $0xffff, v1;
	v7 =	vshra.s32 v36, $0x10  }
0x246: {  	[tilespmem:v3+s2+$0x0] =	vst.idx.add.f32.msk $0xffff, v1;
	v3 =	vshra.s32 v39, $0x10  }
0x247: {  	v41 =	vshra.s32 v37, $0x10;
	[tilespmem:v21+s2+$0x0] =	vst.idx.add.f32.msk $0xffff, v1  }
0x248: {  	[tilespmem:v2+s2+$0x0] =	vst.idx.add.f32.msk $0xffff, v1;
	v2 =	vshra.s32 v40, $0x10  }
0x249: {  	[tilespmem:v34+s2+$0x0] =	vst.idx.add.f32.msk $0xffff, v1  }
0x24a: {  	[tilespmem:v7+s2+$0x0] =	vst.idx.add.f32.msk $0xffff, v1  }
0x24b: {  	[tilespmem:v3+s2+$0x0] =	vst.idx.add.f32.msk $0xffff, v1  }
0x24c: {  	[tilespmem:v41+s2+$0x0] =	vst.idx.add.f32.msk $0xffff, v1  }
0x24d: {  	[tilespmem:v2+s2+$0x0] =	vst.idx.add.f32.msk $0xffff, v1  }
0x24e: {  	v2 =	vld [tilespmem:$0x8980];
	_ =	sdelay $0x2  }
0x24f: {  	v3 =	vld [tilespmem:$0x8990];
	_ =	sdelay $0x1  }
0x250: {  	v5 =	vld [tilespmem:$0x89A0];
	v44 =	vand.u32 $0xFFFF, v2  }
0x251: {  	v7 =	vld [tilespmem:$0x89B0];
	v2 =	vshra.s32 v2, $0x10  }
0x252: {  	v47 =	vld [tilespmem:$0x89C0]  }
0x253: {  	v48 =	vld [tilespmem:$0x89D0];
	v45 =	vand.u32 $0xFFFF, v3  }
0x254: {  	v50 =	vld [tilespmem:$0x89E0];
	v3 =	vshra.s32 v3, $0x10  }
0x255: {  	[tilespmem:v44+s2+$0x0] =	vst.idx.add.f32.msk $0xffff, v1  }
0x256: {  	[tilespmem:v2+s2+$0x0] =	vst.idx.add.f32.msk $0xffff, v1;
	v2 =	vand.u32 $0xFFFF, v5  }
0x257: {  	v52 =	vld [tilespmem:$0x89F0]  }
0x258: {  	[tilespmem:v45+s2+$0x0] =	vst.idx.add.f32.msk $0xffff, v1  }
0x259: {  	[tilespmem:v3+s2+$0x0] =	vst.idx.add.f32.msk $0xffff, v1;
	v3 =	vand.u32 $0xFFFF, v7  }
0x25a: {  	v54 =	vld [tilespmem:$0x8D80]  }
0x25b: {  	[tilespmem:v2+s2+$0x0] =	vst.idx.add.f32.msk $0xffff, v1;
	v2 =	vshra.s32 v7, $0x10  }
0x25c: {  	v56 =	vld [tilespmem:$0x8D90]  }
0x25d: {  	v58 =	vld [tilespmem:$0x8DA0];
	v49 =	vand.u32 $0xFFFF, v47  }
0x25e: {  	[tilespmem:v3+s2+$0x0] =	vst.idx.add.f32.msk $0xffff, v1;
	v3 =	vshra.s32 v47, $0x10  }
0x25f: {  	v60 =	vld [tilespmem:$0x8DB0];
	v51 =	vand.u32 $0xFFFF, v48  }
0x260: {  	[tilespmem:v2+s2+$0x0] =	vst.idx.add.f32.msk $0xffff, v1;
	v2 =	vshra.s32 v48, $0x10  }
0x261: {  	v61 =	vld [tilespmem:$0x8DC0]  }
0x262: {  	v53 =	vand.u32 $0xFFFF, v50;
	[tilespmem:v49+s2+$0x0] =	vst.idx.add.f32.msk $0xffff, v1  }
0x263: {  	[tilespmem:v3+s2+$0x0] =	vst.idx.add.f32.msk $0xffff, v1;
	v3 =	vshra.s32 v50, $0x10  }
0x264: {  	v55 =	vand.u32 $0xFFFF, v52;
	[tilespmem:v51+s2+$0x0] =	vst.idx.add.f32.msk $0xffff, v1  }
0x265: {  	[tilespmem:v2+s2+$0x0] =	vst.idx.add.f32.msk $0xffff, v1;
	v2 =	vshra.s32 v52, $0x10  }
0x266: {  	v12 =	vld [tilespmem:$0x8DE0]  }
0x267: {  	v57 =	vand.u32 $0xFFFF, v54;
	[tilespmem:v53+s2+$0x0] =	vst.idx.add.f32.msk $0xffff, v1  }
0x268: {  	[tilespmem:v3+s2+$0x0] =	vst.idx.add.f32.msk $0xffff, v1;
	v3 =	vshra.s32 v54, $0x10  }
0x269: {  	[tilespmem:v55+s2+$0x0] =	vst.idx.add.f32.msk $0xffff, v1  }
0x26a: {  	[tilespmem:v2+s2+$0x0] =	vst.idx.add.f32.msk $0xffff, v1;
	v2 =	vand.u32 $0xFFFF, v56  }
0x26b: {  	v13 =	vld [tilespmem:$0x8DF0]  }
0x26c: {  	v63 =	vand.u32 $0xFFFF, v60;
	[tilespmem:v57+s2+$0x0] =	vst.idx.add.f32.msk $0xffff, v1  }
0x26d: {  	[tilespmem:v3+s2+$0x0] =	vst.idx.add.f32.msk $0xffff, v1;
	v3 =	vand.u32 $0xFFFF, v58  }
0x26e: {  	v62 =	vld [tilespmem:$0x8DD0];
	v15 =	vand.u32 $0xFFFF, v12  }
0x26f: {  	[tilespmem:v2+s2+$0x0] =	vst.idx.add.f32.msk $0xffff, v1;
	v2 =	vshra.s32 v58, $0x10  }
0x270: {  	v16 =	vand.u32 $0xFFFF, v13  }
0x271: {  	v6 =	vshra.s32 v60, $0x10;
	[tilespmem:v63+s2+$0x0] =	vst.idx.add.f32.msk $0xffff, v1  }
0x272: {  	[tilespmem:v3+s2+$0x0] =	vst.idx.add.f32.msk $0xffff, v1;
	v3 =	vand.u32 $0xFFFF, v61  }
0x273: {  	v46 =	vshra.s32 v5, $0x10;
	[tilespmem:v15+s2+$0x0] =	vst.idx.add.f32.msk $0xffff, v1  }
0x274: {  	[tilespmem:v2+s2+$0x0] =	vst.idx.add.f32.msk $0xffff, v1;
	v2 =	vand.u32 $0xFFFF, v62  }
0x275: {  	v59 =	vshra.s32 v56, $0x10;
	[tilespmem:v16+s2+$0x0] =	vst.idx.add.f32.msk $0xffff, v1  }
0x276: {  	[tilespmem:v6+s2+$0x0] =	vst.idx.add.f32.msk $0xffff, v1;
	v7 =	vshra.s32 v61, $0x10  }
0x277: {  	[tilespmem:v3+s2+$0x0] =	vst.idx.add.f32.msk $0xffff, v1;
	v3 =	vshra.s32 v12, $0x10  }
0x278: {  	v14 =	vshra.s32 v62, $0x10;
	[tilespmem:v46+s2+$0x0] =	vst.idx.add.f32.msk $0xffff, v1  }
0x279: {  	[tilespmem:v2+s2+$0x0] =	vst.idx.add.f32.msk $0xffff, v1;
	v2 =	vshra.s32 v13, $0x10  }
0x27a: {  	[tilespmem:v59+s2+$0x0] =	vst.idx.add.f32.msk $0xffff, v1  }
0x27b: {  	[tilespmem:v7+s2+$0x0] =	vst.idx.add.f32.msk $0xffff, v1  }
0x27c: {  	[tilespmem:v3+s2+$0x0] =	vst.idx.add.f32.msk $0xffff, v1  }
0x27d: {  	[tilespmem:v14+s2+$0x0] =	vst.idx.add.f32.msk $0xffff, v1  }
0x27e: {  	[tilespmem:v2+s2+$0x0] =	vst.idx.add.f32.msk $0xffff, v1  }
0x27f: {  	v2 =	vld [tilespmem:$0x8A00];
	_ =	sdelay $0x2  }
0x280: {  	v3 =	vld [tilespmem:$0x8A10];
	_ =	sdelay $0x1  }
0x281: {  	v5 =	vld [tilespmem:$0x8A20];
	v17 =	vand.u32 $0xFFFF, v2  }
0x282: {  	v7 =	vld [tilespmem:$0x8A30];
	v2 =	vshra.s32 v2, $0x10  }
0x283: {  	v20 =	vld [tilespmem:$0x8A40]  }
0x284: {  	v21 =	vld [tilespmem:$0x8A50];
	v18 =	vand.u32 $0xFFFF, v3  }
0x285: {  	v23 =	vld [tilespmem:$0x8A60];
	v3 =	vshra.s32 v3, $0x10  }
0x286: {  	[tilespmem:v17+s2+$0x0] =	vst.idx.add.f32.msk $0xffff, v1  }
0x287: {  	[tilespmem:v2+s2+$0x0] =	vst.idx.add.f32.msk $0xffff, v1;
	v2 =	vand.u32 $0xFFFF, v5  }
0x288: {  	v25 =	vld [tilespmem:$0x8A70]  }
0x289: {  	[tilespmem:v18+s2+$0x0] =	vst.idx.add.f32.msk $0xffff, v1  }
0x28a: {  	[tilespmem:v3+s2+$0x0] =	vst.idx.add.f32.msk $0xffff, v1;
	v3 =	vand.u32 $0xFFFF, v7  }
0x28b: {  	v27 =	vld [tilespmem:$0x8E00]  }
0x28c: {  	[tilespmem:v2+s2+$0x0] =	vst.idx.add.f32.msk $0xffff, v1;
	v2 =	vshra.s32 v7, $0x10  }
0x28d: {  	v29 =	vld [tilespmem:$0x8E10]  }
0x28e: {  	v31 =	vld [tilespmem:$0x8E20];
	v22 =	vand.u32 $0xFFFF, v20  }
0x28f: {  	[tilespmem:v3+s2+$0x0] =	vst.idx.add.f32.msk $0xffff, v1;
	v3 =	vshra.s32 v20, $0x10  }
0x290: {  	v33 =	vld [tilespmem:$0x8E30];
	v24 =	vand.u32 $0xFFFF, v21  }
0x291: {  	[tilespmem:v2+s2+$0x0] =	vst.idx.add.f32.msk $0xffff, v1;
	v2 =	vshra.s32 v21, $0x10  }
0x292: {  	v34 =	vld [tilespmem:$0x8E40]  }
0x293: {  	v26 =	vand.u32 $0xFFFF, v23;
	[tilespmem:v22+s2+$0x0] =	vst.idx.add.f32.msk $0xffff, v1  }
0x294: {  	[tilespmem:v3+s2+$0x0] =	vst.idx.add.f32.msk $0xffff, v1;
	v3 =	vshra.s32 v23, $0x10  }
0x295: {  	v28 =	vand.u32 $0xFFFF, v25;
	[tilespmem:v24+s2+$0x0] =	vst.idx.add.f32.msk $0xffff, v1  }
0x296: {  	[tilespmem:v2+s2+$0x0] =	vst.idx.add.f32.msk $0xffff, v1;
	v2 =	vshra.s32 v25, $0x10  }
0x297: {  	v37 =	vld [tilespmem:$0x8E60]  }
0x298: {  	v30 =	vand.u32 $0xFFFF, v27;
	[tilespmem:v26+s2+$0x0] =	vst.idx.add.f32.msk $0xffff, v1  }
0x299: {  	[tilespmem:v3+s2+$0x0] =	vst.idx.add.f32.msk $0xffff, v1;
	v3 =	vshra.s32 v27, $0x10  }
0x29a: {  	[tilespmem:v28+s2+$0x0] =	vst.idx.add.f32.msk $0xffff, v1  }
0x29b: {  	[tilespmem:v2+s2+$0x0] =	vst.idx.add.f32.msk $0xffff, v1;
	v2 =	vand.u32 $0xFFFF, v29  }
0x29c: {  	v38 =	vld [tilespmem:$0x8E70]  }
0x29d: {  	v36 =	vand.u32 $0xFFFF, v33;
	[tilespmem:v30+s2+$0x0] =	vst.idx.add.f32.msk $0xffff, v1  }
0x29e: {  	[tilespmem:v3+s2+$0x0] =	vst.idx.add.f32.msk $0xffff, v1;
	v3 =	vand.u32 $0xFFFF, v31  }
0x29f: {  	v35 =	vld [tilespmem:$0x8E50];
	v40 =	vand.u32 $0xFFFF, v37  }
0x2a0: {  	[tilespmem:v2+s2+$0x0] =	vst.idx.add.f32.msk $0xffff, v1;
	v2 =	vshra.s32 v31, $0x10  }
0x2a1: {  	v41 =	vand.u32 $0xFFFF, v38  }
0x2a2: {  	v6 =	vshra.s32 v33, $0x10;
	[tilespmem:v36+s2+$0x0] =	vst.idx.add.f32.msk $0xffff, v1  }
0x2a3: {  	[tilespmem:v3+s2+$0x0] =	vst.idx.add.f32.msk $0xffff, v1;
	v3 =	vand.u32 $0xFFFF, v34  }
0x2a4: {  	v19 =	vshra.s32 v5, $0x10;
	[tilespmem:v40+s2+$0x0] =	vst.idx.add.f32.msk $0xffff, v1  }
0x2a5: {  	[tilespmem:v2+s2+$0x0] =	vst.idx.add.f32.msk $0xffff, v1;
	v2 =	vand.u32 $0xFFFF, v35  }
0x2a6: {  	v32 =	vshra.s32 v29, $0x10;
	[tilespmem:v41+s2+$0x0] =	vst.idx.add.f32.msk $0xffff, v1  }
0x2a7: {  	[tilespmem:v6+s2+$0x0] =	vst.idx.add.f32.msk $0xffff, v1;
	v7 =	vshra.s32 v34, $0x10  }
0x2a8: {  	[tilespmem:v3+s2+$0x0] =	vst.idx.add.f32.msk $0xffff, v1;
	v3 =	vshra.s32 v37, $0x10  }
0x2a9: {  	v39 =	vshra.s32 v35, $0x10;
	[tilespmem:v19+s2+$0x0] =	vst.idx.add.f32.msk $0xffff, v1  }
0x2aa: {  	[tilespmem:v2+s2+$0x0] =	vst.idx.add.f32.msk $0xffff, v1;
	v2 =	vshra.s32 v38, $0x10  }
0x2ab: {  	[tilespmem:v32+s2+$0x0] =	vst.idx.add.f32.msk $0xffff, v1  }
0x2ac: {  	[tilespmem:v7+s2+$0x0] =	vst.idx.add.f32.msk $0xffff, v1  }
0x2ad: {  	[tilespmem:v3+s2+$0x0] =	vst.idx.add.f32.msk $0xffff, v1  }
0x2ae: {  	[tilespmem:v39+s2+$0x0] =	vst.idx.add.f32.msk $0xffff, v1  }
0x2af: {  	[tilespmem:v2+s2+$0x0] =	vst.idx.add.f32.msk $0xffff, v1  }
0x2b0: {  	v2 =	vld [tilespmem:$0x8A80];
	_ =	sdelay $0x2  }
0x2b1: {  	v3 =	vld [tilespmem:$0x8A90];
	_ =	sdelay $0x1  }
0x2b2: {  	v5 =	vld [tilespmem:$0x8AA0];
	v42 =	vand.u32 $0xFFFF, v2  }
0x2b3: {  	v7 =	vld [tilespmem:$0x8AB0];
	v2 =	vshra.s32 v2, $0x10  }
0x2b4: {  	v45 =	vld [tilespmem:$0x8AC0]  }
0x2b5: {  	v46 =	vld [tilespmem:$0x8AD0];
	v43 =	vand.u32 $0xFFFF, v3  }
0x2b6: {  	v48 =	vld [tilespmem:$0x8AE0];
	v3 =	vshra.s32 v3, $0x10  }
0x2b7: {  	[tilespmem:v42+s2+$0x0] =	vst.idx.add.f32.msk $0xffff, v1  }
0x2b8: {  	[tilespmem:v2+s2+$0x0] =	vst.idx.add.f32.msk $0xffff, v1;
	v2 =	vand.u32 $0xFFFF, v5  }
0x2b9: {  	v50 =	vld [tilespmem:$0x8AF0]  }
0x2ba: {  	[tilespmem:v43+s2+$0x0] =	vst.idx.add.f32.msk $0xffff, v1  }
0x2bb: {  	[tilespmem:v3+s2+$0x0] =	vst.idx.add.f32.msk $0xffff, v1;
	v3 =	vand.u32 $0xFFFF, v7  }
0x2bc: {  	v52 =	vld [tilespmem:$0x8E80]  }
0x2bd: {  	[tilespmem:v2+s2+$0x0] =	vst.idx.add.f32.msk $0xffff, v1;
	v2 =	vshra.s32 v7, $0x10  }
0x2be: {  	v54 =	vld [tilespmem:$0x8E90]  }
0x2bf: {  	v56 =	vld [tilespmem:$0x8EA0];
	v47 =	vand.u32 $0xFFFF, v45  }
0x2c0: {  	[tilespmem:v3+s2+$0x0] =	vst.idx.add.f32.msk $0xffff, v1;
	v3 =	vshra.s32 v45, $0x10  }
0x2c1: {  	v58 =	vld [tilespmem:$0x8EB0];
	v49 =	vand.u32 $0xFFFF, v46  }
0x2c2: {  	[tilespmem:v2+s2+$0x0] =	vst.idx.add.f32.msk $0xffff, v1;
	v2 =	vshra.s32 v46, $0x10  }
0x2c3: {  	v59 =	vld [tilespmem:$0x8EC0]  }
0x2c4: {  	v51 =	vand.u32 $0xFFFF, v48;
	[tilespmem:v47+s2+$0x0] =	vst.idx.add.f32.msk $0xffff, v1  }
0x2c5: {  	[tilespmem:v3+s2+$0x0] =	vst.idx.add.f32.msk $0xffff, v1;
	v3 =	vshra.s32 v48, $0x10  }
0x2c6: {  	v53 =	vand.u32 $0xFFFF, v50;
	[tilespmem:v49+s2+$0x0] =	vst.idx.add.f32.msk $0xffff, v1  }
0x2c7: {  	[tilespmem:v2+s2+$0x0] =	vst.idx.add.f32.msk $0xffff, v1;
	v2 =	vshra.s32 v50, $0x10  }
0x2c8: {  	v62 =	vld [tilespmem:$0x8EE0]  }
0x2c9: {  	v55 =	vand.u32 $0xFFFF, v52;
	[tilespmem:v51+s2+$0x0] =	vst.idx.add.f32.msk $0xffff, v1  }
0x2ca: {  	[tilespmem:v3+s2+$0x0] =	vst.idx.add.f32.msk $0xffff, v1;
	v3 =	vshra.s32 v52, $0x10  }
0x2cb: {  	[tilespmem:v53+s2+$0x0] =	vst.idx.add.f32.msk $0xffff, v1  }
0x2cc: {  	[tilespmem:v2+s2+$0x0] =	vst.idx.add.f32.msk $0xffff, v1;
	v2 =	vand.u32 $0xFFFF, v54  }
0x2cd: {  	v63 =	vld [tilespmem:$0x8EF0]  }
0x2ce: {  	v61 =	vand.u32 $0xFFFF, v58;
	[tilespmem:v55+s2+$0x0] =	vst.idx.add.f32.msk $0xffff, v1  }
0x2cf: {  	[tilespmem:v3+s2+$0x0] =	vst.idx.add.f32.msk $0xffff, v1;
	v3 =	vand.u32 $0xFFFF, v56  }
0x2d0: {  	v60 =	vld [tilespmem:$0x8ED0];
	v12 =	vand.u32 $0xFFFF, v62  }
0x2d1: {  	[tilespmem:v2+s2+$0x0] =	vst.idx.add.f32.msk $0xffff, v1;
	v2 =	vshra.s32 v56, $0x10  }
0x2d2: {  	v13 =	vand.u32 $0xFFFF, v63  }
0x2d3: {  	v6 =	vshra.s32 v58, $0x10;
	[tilespmem:v61+s2+$0x0] =	vst.idx.add.f32.msk $0xffff, v1  }
0x2d4: {  	[tilespmem:v3+s2+$0x0] =	vst.idx.add.f32.msk $0xffff, v1;
	v3 =	vand.u32 $0xFFFF, v59  }
0x2d5: {  	v44 =	vshra.s32 v5, $0x10;
	[tilespmem:v12+s2+$0x0] =	vst.idx.add.f32.msk $0xffff, v1  }
0x2d6: {  	[tilespmem:v2+s2+$0x0] =	vst.idx.add.f32.msk $0xffff, v1;
	v2 =	vand.u32 $0xFFFF, v60  }
0x2d7: {  	v57 =	vshra.s32 v54, $0x10;
	[tilespmem:v13+s2+$0x0] =	vst.idx.add.f32.msk $0xffff, v1  }
0x2d8: {  	[tilespmem:v6+s2+$0x0] =	vst.idx.add.f32.msk $0xffff, v1;
	v7 =	vshra.s32 v59, $0x10  }
0x2d9: {  	[tilespmem:v3+s2+$0x0] =	vst.idx.add.f32.msk $0xffff, v1;
	v3 =	vshra.s32 v62, $0x10  }
0x2da: {  	v11 =	vshra.s32 v60, $0x10;
	[tilespmem:v44+s2+$0x0] =	vst.idx.add.f32.msk $0xffff, v1  }
0x2db: {  	[tilespmem:v2+s2+$0x0] =	vst.idx.add.f32.msk $0xffff, v1;
	v2 =	vshra.s32 v63, $0x10  }
0x2dc: {  	[tilespmem:v57+s2+$0x0] =	vst.idx.add.f32.msk $0xffff, v1  }
0x2dd: {  	[tilespmem:v7+s2+$0x0] =	vst.idx.add.f32.msk $0xffff, v1  }
0x2de: {  	[tilespmem:v3+s2+$0x0] =	vst.idx.add.f32.msk $0xffff, v1  }
0x2df: {  	[tilespmem:v11+s2+$0x0] =	vst.idx.add.f32.msk $0xffff, v1  }
0x2e0: {  	[tilespmem:v2+s2+$0x0] =	vst.idx.add.f32.msk $0xffff, v1  }
0x2e1: {  	v2 =	vld [tilespmem:$0x8B00];
	_ =	sdelay $0x2  }
0x2e2: {  	v3 =	vld [tilespmem:$0x8B10];
	_ =	sdelay $0x1  }
0x2e3: {  	v5 =	vld [tilespmem:$0x8B20];
	v14 =	vand.u32 $0xFFFF, v2  }
0x2e4: {  	v7 =	vld [tilespmem:$0x8B30];
	v2 =	vshra.s32 v2, $0x10  }
0x2e5: {  	v17 =	vld [tilespmem:$0x8B40]  }
0x2e6: {  	v18 =	vld [tilespmem:$0x8B50];
	v15 =	vand.u32 $0xFFFF, v3  }
0x2e7: {  	v20 =	vld [tilespmem:$0x8B60];
	v3 =	vshra.s32 v3, $0x10  }
0x2e8: {  	[tilespmem:v14+s2+$0x0] =	vst.idx.add.f32.msk $0xffff, v1  }
0x2e9: {  	[tilespmem:v2+s2+$0x0] =	vst.idx.add.f32.msk $0xffff, v1;
	v2 =	vand.u32 $0xFFFF, v5  }
0x2ea: {  	v22 =	vld [tilespmem:$0x8B70]  }
0x2eb: {  	[tilespmem:v15+s2+$0x0] =	vst.idx.add.f32.msk $0xffff, v1  }
0x2ec: {  	[tilespmem:v3+s2+$0x0] =	vst.idx.add.f32.msk $0xffff, v1;
	v3 =	vand.u32 $0xFFFF, v7  }
0x2ed: {  	v24 =	vld [tilespmem:$0x8F00]  }
0x2ee: {  	[tilespmem:v2+s2+$0x0] =	vst.idx.add.f32.msk $0xffff, v1;
	v2 =	vshra.s32 v7, $0x10  }
0x2ef: {  	v26 =	vld [tilespmem:$0x8F10]  }
0x2f0: {  	v28 =	vld [tilespmem:$0x8F20];
	v19 =	vand.u32 $0xFFFF, v17  }
0x2f1: {  	[tilespmem:v3+s2+$0x0] =	vst.idx.add.f32.msk $0xffff, v1;
	v3 =	vshra.s32 v17, $0x10  }
0x2f2: {  	v30 =	vld [tilespmem:$0x8F30];
	v21 =	vand.u32 $0xFFFF, v18  }
0x2f3: {  	[tilespmem:v2+s2+$0x0] =	vst.idx.add.f32.msk $0xffff, v1;
	v2 =	vshra.s32 v18, $0x10  }
0x2f4: {  	v31 =	vld [tilespmem:$0x8F40]  }
0x2f5: {  	v23 =	vand.u32 $0xFFFF, v20;
	[tilespmem:v19+s2+$0x0] =	vst.idx.add.f32.msk $0xffff, v1  }
0x2f6: {  	[tilespmem:v3+s2+$0x0] =	vst.idx.add.f32.msk $0xffff, v1;
	v3 =	vshra.s32 v20, $0x10  }
0x2f7: {  	v25 =	vand.u32 $0xFFFF, v22;
	[tilespmem:v21+s2+$0x0] =	vst.idx.add.f32.msk $0xffff, v1  }
0x2f8: {  	[tilespmem:v2+s2+$0x0] =	vst.idx.add.f32.msk $0xffff, v1;
	v2 =	vshra.s32 v22, $0x10  }
0x2f9: {  	v34 =	vld [tilespmem:$0x8F60]  }
0x2fa: {  	v27 =	vand.u32 $0xFFFF, v24;
	[tilespmem:v23+s2+$0x0] =	vst.idx.add.f32.msk $0xffff, v1  }
0x2fb: {  	[tilespmem:v3+s2+$0x0] =	vst.idx.add.f32.msk $0xffff, v1;
	v3 =	vshra.s32 v24, $0x10  }
0x2fc: {  	[tilespmem:v25+s2+$0x0] =	vst.idx.add.f32.msk $0xffff, v1  }
0x2fd: {  	[tilespmem:v2+s2+$0x0] =	vst.idx.add.f32.msk $0xffff, v1;
	v2 =	vand.u32 $0xFFFF, v26  }
0x2fe: {  	v35 =	vld [tilespmem:$0x8F70]  }
0x2ff: {  	v33 =	vand.u32 $0xFFFF, v30;
	[tilespmem:v27+s2+$0x0] =	vst.idx.add.f32.msk $0xffff, v1  }
0x300: {  	[tilespmem:v3+s2+$0x0] =	vst.idx.add.f32.msk $0xffff, v1;
	v3 =	vand.u32 $0xFFFF, v28  }
0x301: {  	v32 =	vld [tilespmem:$0x8F50];
	v37 =	vand.u32 $0xFFFF, v34  }
0x302: {  	[tilespmem:v2+s2+$0x0] =	vst.idx.add.f32.msk $0xffff, v1;
	v2 =	vshra.s32 v28, $0x10  }
0x303: {  	v38 =	vand.u32 $0xFFFF, v35  }
0x304: {  	v6 =	vshra.s32 v30, $0x10;
	[tilespmem:v33+s2+$0x0] =	vst.idx.add.f32.msk $0xffff, v1  }
0x305: {  	[tilespmem:v3+s2+$0x0] =	vst.idx.add.f32.msk $0xffff, v1;
	v3 =	vand.u32 $0xFFFF, v31  }
0x306: {  	v16 =	vshra.s32 v5, $0x10;
	[tilespmem:v37+s2+$0x0] =	vst.idx.add.f32.msk $0xffff, v1  }
0x307: {  	[tilespmem:v2+s2+$0x0] =	vst.idx.add.f32.msk $0xffff, v1;
	v2 =	vand.u32 $0xFFFF, v32  }
0x308: {  	v29 =	vshra.s32 v26, $0x10;
	[tilespmem:v38+s2+$0x0] =	vst.idx.add.f32.msk $0xffff, v1  }
0x309: {  	[tilespmem:v6+s2+$0x0] =	vst.idx.add.f32.msk $0xffff, v1;
	v7 =	vshra.s32 v31, $0x10  }
0x30a: {  	[tilespmem:v3+s2+$0x0] =	vst.idx.add.f32.msk $0xffff, v1;
	v3 =	vshra.s32 v34, $0x10  }
0x30b: {  	v36 =	vshra.s32 v32, $0x10;
	[tilespmem:v16+s2+$0x0] =	vst.idx.add.f32.msk $0xffff, v1  }
0x30c: {  	[tilespmem:v2+s2+$0x0] =	vst.idx.add.f32.msk $0xffff, v1;
	v2 =	vshra.s32 v35, $0x10  }
0x30d: {  	[tilespmem:v29+s2+$0x0] =	vst.idx.add.f32.msk $0xffff, v1  }
0x30e: {  	[tilespmem:v7+s2+$0x0] =	vst.idx.add.f32.msk $0xffff, v1  }
0x30f: {  	[tilespmem:v3+s2+$0x0] =	vst.idx.add.f32.msk $0xffff, v1  }
0x310: {  	[tilespmem:v36+s2+$0x0] =	vst.idx.add.f32.msk $0xffff, v1  }
0x311: {  	[tilespmem:v2+s2+$0x0] =	vst.idx.add.f32.msk $0xffff, v1  }
0x312: {  	v2 =	vld [tilespmem:$0x8B80];
	_ =	sdelay $0x2  }
0x313: {  	v3 =	vld [tilespmem:$0x8B90];
	_ =	sdelay $0x1  }
0x314: {  	v5 =	vld [tilespmem:$0x8BA0];
	v39 =	vand.u32 $0xFFFF, v2  }
0x315: {  	v7 =	vld [tilespmem:$0x8BB0];
	v2 =	vshra.s32 v2, $0x10  }
0x316: {  	v42 =	vld [tilespmem:$0x8BC0]  }
0x317: {  	v43 =	vld [tilespmem:$0x8BD0];
	v40 =	vand.u32 $0xFFFF, v3  }
0x318: {  	v45 =	vld [tilespmem:$0x8BE0];
	v3 =	vshra.s32 v3, $0x10  }
0x319: {  	[tilespmem:v39+s2+$0x0] =	vst.idx.add.f32.msk $0xffff, v1  }
0x31a: {  	[tilespmem:v2+s2+$0x0] =	vst.idx.add.f32.msk $0xffff, v1;
	v2 =	vand.u32 $0xFFFF, v5  }
0x31b: {  	v47 =	vld [tilespmem:$0x8BF0]  }
0x31c: {  	[tilespmem:v40+s2+$0x0] =	vst.idx.add.f32.msk $0xffff, v1  }
0x31d: {  	[tilespmem:v3+s2+$0x0] =	vst.idx.add.f32.msk $0xffff, v1;
	v3 =	vand.u32 $0xFFFF, v7  }
0x31e: {  	v49 =	vld [tilespmem:$0x8F80]  }
0x31f: {  	[tilespmem:v2+s2+$0x0] =	vst.idx.add.f32.msk $0xffff, v1;
	v2 =	vshra.s32 v7, $0x10  }
0x320: {  	v51 =	vld [tilespmem:$0x8F90]  }
0x321: {  	v53 =	vld [tilespmem:$0x8FA0];
	v44 =	vand.u32 $0xFFFF, v42  }
0x322: {  	[tilespmem:v3+s2+$0x0] =	vst.idx.add.f32.msk $0xffff, v1;
	v3 =	vshra.s32 v42, $0x10  }
0x323: {  	v55 =	vld [tilespmem:$0x8FB0];
	v46 =	vand.u32 $0xFFFF, v43  }
0x324: {  	[tilespmem:v2+s2+$0x0] =	vst.idx.add.f32.msk $0xffff, v1;
	v2 =	vshra.s32 v43, $0x10  }
0x325: {  	v56 =	vld [tilespmem:$0x8FC0]  }
0x326: {  	v48 =	vand.u32 $0xFFFF, v45;
	[tilespmem:v44+s2+$0x0] =	vst.idx.add.f32.msk $0xffff, v1  }
0x327: {  	[tilespmem:v3+s2+$0x0] =	vst.idx.add.f32.msk $0xffff, v1;
	v3 =	vshra.s32 v45, $0x10  }
0x328: {  	v50 =	vand.u32 $0xFFFF, v47;
	[tilespmem:v46+s2+$0x0] =	vst.idx.add.f32.msk $0xffff, v1  }
0x329: {  	[tilespmem:v2+s2+$0x0] =	vst.idx.add.f32.msk $0xffff, v1;
	v2 =	vshra.s32 v47, $0x10  }
0x32a: {  	v59 =	vld [tilespmem:$0x8FE0]  }
0x32b: {  	v52 =	vand.u32 $0xFFFF, v49;
	[tilespmem:v48+s2+$0x0] =	vst.idx.add.f32.msk $0xffff, v1  }
0x32c: {  	[tilespmem:v3+s2+$0x0] =	vst.idx.add.f32.msk $0xffff, v1;
	v3 =	vshra.s32 v49, $0x10  }
0x32d: {  	[tilespmem:v50+s2+$0x0] =	vst.idx.add.f32.msk $0xffff, v1  }
0x32e: {  	[tilespmem:v2+s2+$0x0] =	vst.idx.add.f32.msk $0xffff, v1;
	v2 =	vand.u32 $0xFFFF, v51  }
0x32f: {  	v60 =	vld [tilespmem:$0x8FF0]  }
0x330: {  	v58 =	vand.u32 $0xFFFF, v55;
	[tilespmem:v52+s2+$0x0] =	vst.idx.add.f32.msk $0xffff, v1  }
0x331: {  	[tilespmem:v3+s2+$0x0] =	vst.idx.add.f32.msk $0xffff, v1;
	v3 =	vand.u32 $0xFFFF, v53  }
0x332: {  	v57 =	vld [tilespmem:$0x8FD0];
	v62 =	vand.u32 $0xFFFF, v59  }
0x333: {  	[tilespmem:v2+s2+$0x0] =	vst.idx.add.f32.msk $0xffff, v1;
	v2 =	vshra.s32 v53, $0x10  }
0x334: {  	v63 =	vand.u32 $0xFFFF, v60  }
0x335: {  	v6 =	vshra.s32 v55, $0x10;
	[tilespmem:v58+s2+$0x0] =	vst.idx.add.f32.msk $0xffff, v1  }
0x336: {  	[tilespmem:v3+s2+$0x0] =	vst.idx.add.f32.msk $0xffff, v1;
	v3 =	vand.u32 $0xFFFF, v56  }
0x337: {  	v41 =	vshra.s32 v5, $0x10;
	[tilespmem:v62+s2+$0x0] =	vst.idx.add.f32.msk $0xffff, v1  }
0x338: {  	[tilespmem:v2+s2+$0x0] =	vst.idx.add.f32.msk $0xffff, v1;
	v2 =	vand.u32 $0xFFFF, v57  }
0x339: {  	v54 =	vshra.s32 v51, $0x10;
	[tilespmem:v63+s2+$0x0] =	vst.idx.add.f32.msk $0xffff, v1  }
0x33a: {  	[tilespmem:v6+s2+$0x0] =	vst.idx.add.f32.msk $0xffff, v1;
	v7 =	vshra.s32 v56, $0x10  }
0x33b: {  	[tilespmem:v3+s2+$0x0] =	vst.idx.add.f32.msk $0xffff, v1;
	v3 =	vshra.s32 v59, $0x10  }
0x33c: {  	v61 =	vshra.s32 v57, $0x10;
	[tilespmem:v41+s2+$0x0] =	vst.idx.add.f32.msk $0xffff, v1  }
0x33d: {  	[tilespmem:v2+s2+$0x0] =	vst.idx.add.f32.msk $0xffff, v1;
	v2 =	vshra.s32 v60, $0x10  }
.Ltmp3:
0x33e: {  	[tilespmem:v54+s2+$0x0] =	vst.idx.add.f32.msk $0xffff, v1;
	(pc) =	sbr.rel @p0 .LBB2_6-.Ltmp3, $4  }
0x33f: {  	[tilespmem:v7+s2+$0x0] =	vst.idx.add.f32.msk $0xffff, v1  }
0x340: {  	[tilespmem:v3+s2+$0x0] =	vst.idx.add.f32.msk $0xffff, v1  }
0x341: {  	[tilespmem:v61+s2+$0x0] =	vst.idx.add.f32.msk $0xffff, v1  }
0x342: {  	[tilespmem:v2+s2+$0x0] =	vst.idx.add.f32.msk $0xffff, v1  }
.Ltmp4:
0x343: {  	(pc) =	sbr.rel .LBB2_4-.Ltmp4, $4  }
0x344: {  	_ = 	snop  }
0x345: {  	s17 =	sadd.s32 s16, s7  }
0x346: {  	s16 =	sadd.s32 $0x200, s16;
	s17 =	sadd.s32 $0x2100, s17  }
0x347: {  	[tilespmem:s9], [sflag:$0x2] =	stream.linear.gather [hbm4b:s17+s2], $0x800, $0x38;
	[tilespmem:$0x9000] =	vst v63  }
.LBB2_7:
0x348: {  	_ =	sfence.sel $0x180000  }
0x349: {  	[bflag:$0x0] =	sbarrier.arrive $0xFFFF  }
0x34a: {  	p0 =	sne.s32 s1, $0x0;
	_ =	strace $0x90000047  }
0x34b: {  	s0 =	sadd.s32 @!p0 $0x100000, s0;
	[bflag:$0x2] =	sbarrier.arrive $0xFFFF  }
0x34c: {  	[sflag:s0] =	ssyncadd.tile.s32 @!p0 $0x1;
	_ =	shalt  }
.Lfunc_end2:
_tile_overlayer_lowered:
.L_overlay_start_2:
0x34d: {  	(tag) =	ssettag $0x2  }
0x34e: {  	s0 =	rddreg [dreg:$0x0];
	s2 =	stileid.u32  }
0x34f: {  	s1 =	rddreg [dreg:$0x1];
	p0 =	sne.s32 s2, $0x0  }
0x350: {  	s3 =	rddreg [dreg:$0x2];
	[bflag:$0x3] =	sbarrier.arrive $0xFFFF;
	s2 =	simm.s32 @!p0 $0x1C03  }
0x351: {  	[timem:s3], [sflag:s2] =	dma.local @!p0 [hbm:s0], s1  }
0x352: {  	s0 =	simm.s32 @!p0 $0x3  }
0x353: {  	_ =	swait.ge @!p0 [sflag:s0], s1  }
0x354: {  	s1 =	ssub.s32 @!p0 $0x0, s1;
	[sflag:s0] =	ssyncset.done @!p0 $0x0  }
0x355: {  	[sflag:s0] =	ssyncadd.s32 @!p0 s1  }
0x356: {  	[bflag:$0x3] =	sbarrier.arrive $0xFFFF  }
0x357: {  	_ =	shalt  }

</sc_bundles>
